<compile_context>
chip_gen: v7x
topology: tpu7x:2x2x1
jax: 0.10.2.dev20260603
libtpu: 0.0.44.dev20260713+nightly
codegen_flags: <defaults>
</compile_context>

<pallas_src>
import functools

import jax
import jax.numpy as jnp
from jax import lax
from jax.experimental import pallas as pl
from jax.experimental.pallas import tpu as pltpu
from jax.experimental.pallas import tpu_sc as plsc

_VOCAB = 8192
_CDIM = 256
_COMMIT = 0.25

_MBLK = 512
_BIG = 2**30
_WINDOWS = ((0, 2736), (2736, 2736), (5472, 2720))


def _round_bf16(x):
    u = lax.bitcast_convert_type(x, jnp.uint32)
    u = (u + jnp.uint32(0x7FFF) + ((u >> 16) & jnp.uint32(1))) \
        & jnp.uint32(0xFFFF0000)
    return lax.bitcast_convert_type(u, jnp.float32)


def _argmin_body(zsq_ref, zs_ref, csq_ref, cb_ref, idx_ref, loss_ref):
    m = pl.program_id(0)
    zsq = zsq_ref[...]
    m2 = lax.dot_general(zs_ref[...], cb_ref[...], (((1,), (1,)), ((), ())),
                         preferred_element_type=jnp.float32)
    d = (zsq + csq_ref[...]) - m2

    gv = None
    gvf = None
    gi = None
    for (lo, sz) in _WINDOWS:
        dw = d[:, lo:lo + sz]
        lmin = jnp.min(dw, axis=1, keepdims=True)
        iota = lax.broadcasted_iota(jnp.int32, (1, sz), 1).astype(jnp.float32)
        lidx = jnp.min(jnp.where(dw == lmin, iota, jnp.inf), axis=1,
                       keepdims=True)
        lidx = lidx.astype(jnp.int32) + lo
        if gv is None:
            gv, gvf, gi = _round_bf16(lmin), lmin, lidx
        else:
            take = lmin < gv
            gi = jnp.where(take, lidx, gi)
            gvf = jnp.where(take, lmin, gvf)
            gv = _round_bf16(jnp.where(take, lmin, gv))

    idx_ref[...] = gi
    part = jnp.sum(gvf, keepdims=True)
    prev = jnp.where(m == 0, jnp.zeros_like(loss_ref[...]), loss_ref[...])
    loss_ref[...] = prev + part


def _run_argmin(zs_bf16, zsq, codebook_bf16, csq):
    mtot = zs_bf16.shape[0]
    grid = (mtot // _MBLK,)
    return pl.pallas_call(
        _argmin_body,
        grid=grid,
        in_specs=[
            pl.BlockSpec((_MBLK, 1), lambda i: (i, 0)),
            pl.BlockSpec((_MBLK, _CDIM), lambda i: (i, 0)),
            pl.BlockSpec((1, _VOCAB), lambda i: (0, 0)),
            pl.BlockSpec((_VOCAB, _CDIM), lambda i: (0, 0)),
        ],
        out_specs=[
            pl.BlockSpec((_MBLK, 1), lambda i: (i, 0)),
            pl.BlockSpec((1, 1), lambda i: (0, 0)),
        ],
        out_shape=[
            jax.ShapeDtypeStruct((mtot, 1), jnp.int32),
            jax.ShapeDtypeStruct((1, 1), jnp.float32),
        ],
    )(zsq, zs_bf16, csq, codebook_bf16)


@functools.cache
def _make_sc_gather(nrows):
    nw = 32
    chunk = 128
    bper = nrows // nw
    nch = bper // chunk

    def body(table_hbm, idx_hbm, out_hbm, idx_v, rows0, rows1, rows2,
             gs0, gs1, gs2, ws0, ws1, ws2):
        wid = lax.axis_index("s") * 2 + lax.axis_index("c")
        base = wid * bper
        for j in range(nch):
            pltpu.sync_copy(idx_hbm.at[pl.ds(base + j * chunk, chunk)],
                            idx_v.at[j])
        bufs = (rows0, rows1, rows2)
        gsems = (gs0, gs1, gs2)
        wsems = (ws0, ws1, ws2)
        nbuf = 3
        gcp, wcp = {}, {}
        for j in range(min(nbuf, nch)):
            gcp[j] = pltpu.async_copy(table_hbm.at[idx_v.at[j]],
                                      bufs[j % nbuf], gsems[j % nbuf])
        for j in range(nch):
            gcp[j].wait()
            wcp[j] = pltpu.async_copy(
                bufs[j % nbuf], out_hbm.at[pl.ds(base + j * chunk, chunk)],
                wsems[j % nbuf])
            nxt = j + nbuf
            if nxt < nch:
                wcp[j].wait()
                gcp[nxt] = pltpu.async_copy(table_hbm.at[idx_v.at[nxt]],
                                            bufs[nxt % nbuf],
                                            gsems[nxt % nbuf])
        for j in range(max(0, nch - nbuf), nch):
            wcp[j].wait()

    return functools.partial(
        pl.kernel,
        mesh=plsc.VectorSubcoreMesh(core_axis_name="c", subcore_axis_name="s"),
        out_type=jax.ShapeDtypeStruct((nrows, _CDIM), jnp.float32),
        scratch_types=[
            pltpu.VMEM((nch, chunk), jnp.int32),
            pltpu.VMEM((chunk, _CDIM), jnp.float32),
            pltpu.VMEM((chunk, _CDIM), jnp.float32),
            pltpu.VMEM((chunk, _CDIM), jnp.float32),
            pltpu.SemaphoreType.DMA,
            pltpu.SemaphoreType.DMA,
            pltpu.SemaphoreType.DMA,
            pltpu.SemaphoreType.DMA,
            pltpu.SemaphoreType.DMA,
            pltpu.SemaphoreType.DMA,
        ],
    )(body)


def kernel(ze, codebook):
    zep = jnp.transpose(ze, (0, 2, 3, 1))
    B, H, W, C = zep.shape
    ze_flat = zep.reshape(B * H * W, C)
    zsq = jnp.sum(ze_flat ** 2, axis=1, keepdims=True)
    csq = jnp.sum(codebook ** 2, axis=1).reshape(1, _VOCAB)

    cb16 = codebook.astype(jnp.bfloat16)
    zs16 = (2.0 * ze_flat).astype(jnp.bfloat16)
    n = B * H * W

    idx2d, loss_sum = _run_argmin(zs16, zsq, cb16, csq)
    zq_flat = _make_sc_gather(n)(codebook, idx2d.reshape(n))

    zq = zq_flat.reshape(B, H, W, C)
    vq_loss = loss_sum[0, 0] * ((1.0 + _COMMIT) / (B * H * W * C))
    zq_out = jnp.transpose(zq, (0, 3, 1, 2))
    return (vq_loss, zq_out, idx2d.reshape(B, H * W))

# --- scband reference (transcript-rebuilt; emitter-appended) ---
"""Pipeline reference for scband-quantizer-49203145343432 (READ-ONLY COPY).

The authoritative reference and input builder live on the scoring server;
editing this copy changes nothing except your own understanding.
"""

import jax, jax.numpy as jnp
import numpy as np

VOCAB_SIZE = 8192
N_EMBD = 256
COMMITMENT_COST = 0.25

def setup_inputs(seed: int = 0) -> dict:
    key = jax.random.key(seed)
    k1, k2 = jax.random.split(key)
    ze = jax.random.normal(k1, (16, 256, 32, 32), dtype=jnp.float32)
    codebook = jax.random.normal(k2, (VOCAB_SIZE, N_EMBD), dtype=jnp.float32)
    return {"ze": ze, "codebook": codebook}

def reference(ze, codebook):
    # ze: [B, C, H, W] -> [B, H, W, C]
    zep = jnp.transpose(ze, (0, 2, 3, 1))
    B, H, W, C = zep.shape
    ze_flat = zep.reshape(B * H * W, C)
    distances = (jnp.sum(ze_flat ** 2, axis=1, keepdims=True)
                 + jnp.sum(codebook ** 2, axis=1)
                 - 2.0 * jnp.matmul(ze_flat, codebook.T))
    encoding_indices = jnp.argmin(distances, axis=1)
    zq = jnp.take(codebook, encoding_indices, axis=0).reshape(B, H, W, C)
    quantization_loss = jnp.mean((jax.lax.stop_gradient(zep) - zq) ** 2)
    commitment_loss = jnp.mean((zep - jax.lax.stop_gradient(zq)) ** 2)
    vq_loss = quantization_loss + COMMITMENT_COST * commitment_loss
    # training-mode straight-through estimator (numerically identical to zq in fwd)
    zq_st = zep + jax.lax.stop_gradient(zq - zep)
    zq_out = jnp.transpose(zq_st, (0, 3, 1, 2))
    return (vq_loss, zq_out, encoding_indices.reshape(B, H * W))

if __name__ == "__main__":
    import jax
    _d = setup_inputs()
    print(jax.jit(kernel)(*tuple(_d.values())))

</pallas_src>

<mosaic_0001>
#map = affine_map<(d0, d1) -> (0, 0)>
#map1 = affine_map<(d0, d1) -> (0)>
module attributes {stable_mosaic.version = 14 : i64} {
  func.func @body(%arg0: i32, %arg1: i32, %arg2: memref<8192x256xf32, #tpu.memory_space<hbm>>, %arg3: memref<16384xi32, #tpu.memory_space<hbm>>, %arg4: memref<16384x256xf32, #tpu.memory_space<hbm>>, %arg5: memref<4x128xi32, #tpu.memory_space<vmem>>, %arg6: memref<128x256xf32, #tpu.memory_space<vmem>>, %arg7: memref<128x256xf32, #tpu.memory_space<vmem>>, %arg8: memref<128x256xf32, #tpu.memory_space<vmem>>, %arg9: memref<!tpu.dma_semaphore, #tpu.memory_space<semaphore_mem>>, %arg10: memref<!tpu.dma_semaphore, #tpu.memory_space<semaphore_mem>>, %arg11: memref<!tpu.dma_semaphore, #tpu.memory_space<semaphore_mem>>, %arg12: memref<!tpu.dma_semaphore, #tpu.memory_space<semaphore_mem>>, %arg13: memref<!tpu.dma_semaphore, #tpu.memory_space<semaphore_mem>>, %arg14: memref<!tpu.dma_semaphore, #tpu.memory_space<semaphore_mem>>) attributes {dimension_semantics = [#tpu.dimension_semantics<core_parallel>, #tpu.dimension_semantics<subcore_parallel>], iteration_bounds = array<i64: 2, 16>, scalar_prefetch = 0 : i64, scratch_operands = 10 : i64, tpu.core_type = #tpu.core_type<sc_vector_subcore>, window_params = [{transform_indices = #map}, {transform_indices = #map1}, {transform_indices = #map}]} {
    %mul3A = arith.constant 2 : i32
    %mul3A_0 = arith.muli %arg1, %mul3A : i32
    %add3A = arith.addi %mul3A_0, %arg0 : i32
    %mul3A_1 = arith.constant 512 : i32
    %mul3A_2 = arith.muli %add3A, %mul3A_1 : i32
    %add3A_3 = arith.constant 0 : i32
    %add3A_4 = arith.addi %mul3A_2, %add3A_3 : i32
    %run_scoped3A = arith.constant 0 : i32
    "tpu.region"() ({
      %run_scoped3A_108 = tpu.sem_alloc : memref<!tpu.dma_semaphore, #tpu.memory_space<semaphore_mem>>
      %dma_start3A_109 = arith.constant 0 : i32
      %dma_start3A_110 = tpu.memref_slice %arg5[%run_scoped3A, %dma_start3A_109] : memref<4x128xi32, #tpu.memory_space<vmem>> -> memref<1x128xi32, #tpu.memory_space<vmem>>
      %dma_start3A_111 = tpu.memref_squeeze %dma_start3A_110 : memref<1x128xi32, #tpu.memory_space<vmem>> -> memref<128xi32, #tpu.memory_space<vmem>>
      %dma_start3A_112 = tpu.memref_slice %arg3[%add3A_4] : memref<16384xi32, #tpu.memory_space<hbm>> -> memref<128xi32, #tpu.memory_space<hbm>>
      %dma_start3A_113 = arith.constant 0 : i32
      %dma_start3A_114 = tpu.memref_slice %arg5[%run_scoped3A, %dma_start3A_113] : memref<4x128xi32, #tpu.memory_space<vmem>> -> memref<1x128xi32, #tpu.memory_space<vmem>>
      %dma_start3A_115 = tpu.memref_squeeze %dma_start3A_114 : memref<1x128xi32, #tpu.memory_space<vmem>> -> memref<128xi32, #tpu.memory_space<vmem>>
      %dma_start3A_116 = tpu.memref_slice %arg3[%add3A_4] : memref<16384xi32, #tpu.memory_space<hbm>> -> memref<128xi32, #tpu.memory_space<hbm>>
      tpu.enqueue_dma source(%dma_start3A_116 : memref<128xi32, #tpu.memory_space<hbm>>) target(%dma_start3A_115 : memref<128xi32, #tpu.memory_space<vmem>>) target_semaphore(%run_scoped3A_108 : memref<!tpu.dma_semaphore, #tpu.memory_space<semaphore_mem>>)
      %dma_wait3A_117 = arith.constant 0 : i32
      %dma_wait3A_118 = tpu.memref_slice %arg5[%run_scoped3A, %dma_wait3A_117] : memref<4x128xi32, #tpu.memory_space<vmem>> -> memref<1x128xi32, #tpu.memory_space<vmem>>
      %dma_wait3A_119 = tpu.memref_squeeze %dma_wait3A_118 : memref<1x128xi32, #tpu.memory_space<vmem>> -> memref<128xi32, #tpu.memory_space<vmem>>
      %dma_wait3A_120 = tpu.memref_slice %arg3[%add3A_4] : memref<16384xi32, #tpu.memory_space<hbm>> -> memref<128xi32, #tpu.memory_space<hbm>>
      %dma_wait3A_121 = arith.constant 0 : i32
      %dma_wait3A_122 = tpu.memref_slice %arg5[%run_scoped3A, %dma_wait3A_121] : memref<4x128xi32, #tpu.memory_space<vmem>> -> memref<1x128xi32, #tpu.memory_space<vmem>>
      %dma_wait3A_123 = tpu.memref_squeeze %dma_wait3A_122 : memref<1x128xi32, #tpu.memory_space<vmem>> -> memref<128xi32, #tpu.memory_space<vmem>>
      %dma_wait3A_124 = tpu.memref_slice %arg3[%add3A_4] : memref<16384xi32, #tpu.memory_space<hbm>> -> memref<128xi32, #tpu.memory_space<hbm>>
      tpu.wait_dma2 semaphore(%run_scoped3A_108 : memref<!tpu.dma_semaphore, #tpu.memory_space<semaphore_mem>>) src(%dma_wait3A_124 : memref<128xi32, #tpu.memory_space<hbm>>) dst(%dma_wait3A_123 : memref<128xi32, #tpu.memory_space<vmem>>)
      tpu.yield
    }) : () -> ()
    %add3A_5 = arith.constant 128 : i32
    %add3A_6 = arith.addi %mul3A_2, %add3A_5 : i32
    %run_scoped3A_7 = arith.constant 1 : i32
    "tpu.region"() ({
      %run_scoped3A_108 = tpu.sem_alloc : memref<!tpu.dma_semaphore, #tpu.memory_space<semaphore_mem>>
      %dma_start3A_109 = arith.constant 0 : i32
      %dma_start3A_110 = tpu.memref_slice %arg5[%run_scoped3A_7, %dma_start3A_109] : memref<4x128xi32, #tpu.memory_space<vmem>> -> memref<1x128xi32, #tpu.memory_space<vmem>>
      %dma_start3A_111 = tpu.memref_squeeze %dma_start3A_110 : memref<1x128xi32, #tpu.memory_space<vmem>> -> memref<128xi32, #tpu.memory_space<vmem>>
      %dma_start3A_112 = tpu.memref_slice %arg3[%add3A_6] : memref<16384xi32, #tpu.memory_space<hbm>> -> memref<128xi32, #tpu.memory_space<hbm>>
      %dma_start3A_113 = arith.constant 0 : i32
      %dma_start3A_114 = tpu.memref_slice %arg5[%run_scoped3A_7, %dma_start3A_113] : memref<4x128xi32, #tpu.memory_space<vmem>> -> memref<1x128xi32, #tpu.memory_space<vmem>>
      %dma_start3A_115 = tpu.memref_squeeze %dma_start3A_114 : memref<1x128xi32, #tpu.memory_space<vmem>> -> memref<128xi32, #tpu.memory_space<vmem>>
      %dma_start3A_116 = tpu.memref_slice %arg3[%add3A_6] : memref<16384xi32, #tpu.memory_space<hbm>> -> memref<128xi32, #tpu.memory_space<hbm>>
      tpu.enqueue_dma source(%dma_start3A_116 : memref<128xi32, #tpu.memory_space<hbm>>) target(%dma_start3A_115 : memref<128xi32, #tpu.memory_space<vmem>>) target_semaphore(%run_scoped3A_108 : memref<!tpu.dma_semaphore, #tpu.memory_space<semaphore_mem>>)
      %dma_wait3A_117 = arith.constant 0 : i32
      %dma_wait3A_118 = tpu.memref_slice %arg5[%run_scoped3A_7, %dma_wait3A_117] : memref<4x128xi32, #tpu.memory_space<vmem>> -> memref<1x128xi32, #tpu.memory_space<vmem>>
      %dma_wait3A_119 = tpu.memref_squeeze %dma_wait3A_118 : memref<1x128xi32, #tpu.memory_space<vmem>> -> memref<128xi32, #tpu.memory_space<vmem>>
      %dma_wait3A_120 = tpu.memref_slice %arg3[%add3A_6] : memref<16384xi32, #tpu.memory_space<hbm>> -> memref<128xi32, #tpu.memory_space<hbm>>
      %dma_wait3A_121 = arith.constant 0 : i32
      %dma_wait3A_122 = tpu.memref_slice %arg5[%run_scoped3A_7, %dma_wait3A_121] : memref<4x128xi32, #tpu.memory_space<vmem>> -> memref<1x128xi32, #tpu.memory_space<vmem>>
      %dma_wait3A_123 = tpu.memref_squeeze %dma_wait3A_122 : memref<1x128xi32, #tpu.memory_space<vmem>> -> memref<128xi32, #tpu.memory_space<vmem>>
      %dma_wait3A_124 = tpu.memref_slice %arg3[%add3A_6] : memref<16384xi32, #tpu.memory_space<hbm>> -> memref<128xi32, #tpu.memory_space<hbm>>
      tpu.wait_dma2 semaphore(%run_scoped3A_108 : memref<!tpu.dma_semaphore, #tpu.memory_space<semaphore_mem>>) src(%dma_wait3A_124 : memref<128xi32, #tpu.memory_space<hbm>>) dst(%dma_wait3A_123 : memref<128xi32, #tpu.memory_space<vmem>>)
      tpu.yield
    }) : () -> ()
    %add3A_8 = arith.constant 256 : i32
    %add3A_9 = arith.addi %mul3A_2, %add3A_8 : i32
    %run_scoped3A_10 = arith.constant 2 : i32
    "tpu.region"() ({
      %run_scoped3A_108 = tpu.sem_alloc : memref<!tpu.dma_semaphore, #tpu.memory_space<semaphore_mem>>
      %dma_start3A_109 = arith.constant 0 : i32
      %dma_start3A_110 = tpu.memref_slice %arg5[%run_scoped3A_10, %dma_start3A_109] : memref<4x128xi32, #tpu.memory_space<vmem>> -> memref<1x128xi32, #tpu.memory_space<vmem>>
      %dma_start3A_111 = tpu.memref_squeeze %dma_start3A_110 : memref<1x128xi32, #tpu.memory_space<vmem>> -> memref<128xi32, #tpu.memory_space<vmem>>
      %dma_start3A_112 = tpu.memref_slice %arg3[%add3A_9] : memref<16384xi32, #tpu.memory_space<hbm>> -> memref<128xi32, #tpu.memory_space<hbm>>
      %dma_start3A_113 = arith.constant 0 : i32
      %dma_start3A_114 = tpu.memref_slice %arg5[%run_scoped3A_10, %dma_start3A_113] : memref<4x128xi32, #tpu.memory_space<vmem>> -> memref<1x128xi32, #tpu.memory_space<vmem>>
      %dma_start3A_115 = tpu.memref_squeeze %dma_start3A_114 : memref<1x128xi32, #tpu.memory_space<vmem>> -> memref<128xi32, #tpu.memory_space<vmem>>
      %dma_start3A_116 = tpu.memref_slice %arg3[%add3A_9] : memref<16384xi32, #tpu.memory_space<hbm>> -> memref<128xi32, #tpu.memory_space<hbm>>
      tpu.enqueue_dma source(%dma_start3A_116 : memref<128xi32, #tpu.memory_space<hbm>>) target(%dma_start3A_115 : memref<128xi32, #tpu.memory_space<vmem>>) target_semaphore(%run_scoped3A_108 : memref<!tpu.dma_semaphore, #tpu.memory_space<semaphore_mem>>)
      %dma_wait3A_117 = arith.constant 0 : i32
      %dma_wait3A_118 = tpu.memref_slice %arg5[%run_scoped3A_10, %dma_wait3A_117] : memref<4x128xi32, #tpu.memory_space<vmem>> -> memref<1x128xi32, #tpu.memory_space<vmem>>
      %dma_wait3A_119 = tpu.memref_squeeze %dma_wait3A_118 : memref<1x128xi32, #tpu.memory_space<vmem>> -> memref<128xi32, #tpu.memory_space<vmem>>
      %dma_wait3A_120 = tpu.memref_slice %arg3[%add3A_9] : memref<16384xi32, #tpu.memory_space<hbm>> -> memref<128xi32, #tpu.memory_space<hbm>>
      %dma_wait3A_121 = arith.constant 0 : i32
      %dma_wait3A_122 = tpu.memref_slice %arg5[%run_scoped3A_10, %dma_wait3A_121] : memref<4x128xi32, #tpu.memory_space<vmem>> -> memref<1x128xi32, #tpu.memory_space<vmem>>
      %dma_wait3A_123 = tpu.memref_squeeze %dma_wait3A_122 : memref<1x128xi32, #tpu.memory_space<vmem>> -> memref<128xi32, #tpu.memory_space<vmem>>
      %dma_wait3A_124 = tpu.memref_slice %arg3[%add3A_9] : memref<16384xi32, #tpu.memory_space<hbm>> -> memref<128xi32, #tpu.memory_space<hbm>>
      tpu.wait_dma2 semaphore(%run_scoped3A_108 : memref<!tpu.dma_semaphore, #tpu.memory_space<semaphore_mem>>) src(%dma_wait3A_124 : memref<128xi32, #tpu.memory_space<hbm>>) dst(%dma_wait3A_123 : memref<128xi32, #tpu.memory_space<vmem>>)
      tpu.yield
    }) : () -> ()
    %add3A_11 = arith.constant 384 : i32
    %add3A_12 = arith.addi %mul3A_2, %add3A_11 : i32
    %run_scoped3A_13 = arith.constant 3 : i32
    "tpu.region"() ({
      %run_scoped3A_108 = tpu.sem_alloc : memref<!tpu.dma_semaphore, #tpu.memory_space<semaphore_mem>>
      %dma_start3A_109 = arith.constant 0 : i32
      %dma_start3A_110 = tpu.memref_slice %arg5[%run_scoped3A_13, %dma_start3A_109] : memref<4x128xi32, #tpu.memory_space<vmem>> -> memref<1x128xi32, #tpu.memory_space<vmem>>
      %dma_start3A_111 = tpu.memref_squeeze %dma_start3A_110 : memref<1x128xi32, #tpu.memory_space<vmem>> -> memref<128xi32, #tpu.memory_space<vmem>>
      %dma_start3A_112 = tpu.memref_slice %arg3[%add3A_12] : memref<16384xi32, #tpu.memory_space<hbm>> -> memref<128xi32, #tpu.memory_space<hbm>>
      %dma_start3A_113 = arith.constant 0 : i32
      %dma_start3A_114 = tpu.memref_slice %arg5[%run_scoped3A_13, %dma_start3A_113] : memref<4x128xi32, #tpu.memory_space<vmem>> -> memref<1x128xi32, #tpu.memory_space<vmem>>
      %dma_start3A_115 = tpu.memref_squeeze %dma_start3A_114 : memref<1x128xi32, #tpu.memory_space<vmem>> -> memref<128xi32, #tpu.memory_space<vmem>>
      %dma_start3A_116 = tpu.memref_slice %arg3[%add3A_12] : memref<16384xi32, #tpu.memory_space<hbm>> -> memref<128xi32, #tpu.memory_space<hbm>>
      tpu.enqueue_dma source(%dma_start3A_116 : memref<128xi32, #tpu.memory_space<hbm>>) target(%dma_start3A_115 : memref<128xi32, #tpu.memory_space<vmem>>) target_semaphore(%run_scoped3A_108 : memref<!tpu.dma_semaphore, #tpu.memory_space<semaphore_mem>>)
      %dma_wait3A_117 = arith.constant 0 : i32
      %dma_wait3A_118 = tpu.memref_slice %arg5[%run_scoped3A_13, %dma_wait3A_117] : memref<4x128xi32, #tpu.memory_space<vmem>> -> memref<1x128xi32, #tpu.memory_space<vmem>>
      %dma_wait3A_119 = tpu.memref_squeeze %dma_wait3A_118 : memref<1x128xi32, #tpu.memory_space<vmem>> -> memref<128xi32, #tpu.memory_space<vmem>>
      %dma_wait3A_120 = tpu.memref_slice %arg3[%add3A_12] : memref<16384xi32, #tpu.memory_space<hbm>> -> memref<128xi32, #tpu.memory_space<hbm>>
      %dma_wait3A_121 = arith.constant 0 : i32
      %dma_wait3A_122 = tpu.memref_slice %arg5[%run_scoped3A_13, %dma_wait3A_121] : memref<4x128xi32, #tpu.memory_space<vmem>> -> memref<1x128xi32, #tpu.memory_space<vmem>>
      %dma_wait3A_123 = tpu.memref_squeeze %dma_wait3A_122 : memref<1x128xi32, #tpu.memory_space<vmem>> -> memref<128xi32, #tpu.memory_space<vmem>>
      %dma_wait3A_124 = tpu.memref_slice %arg3[%add3A_12] : memref<16384xi32, #tpu.memory_space<hbm>> -> memref<128xi32, #tpu.memory_space<hbm>>
      tpu.wait_dma2 semaphore(%run_scoped3A_108 : memref<!tpu.dma_semaphore, #tpu.memory_space<semaphore_mem>>) src(%dma_wait3A_124 : memref<128xi32, #tpu.memory_space<hbm>>) dst(%dma_wait3A_123 : memref<128xi32, #tpu.memory_space<vmem>>)
      tpu.yield
    }) : () -> ()
    %dma_start3A = arith.constant 0 : i32
    %dma_start3A_14 = arith.constant 0 : i32
    %dma_start3A_15 = tpu.memref_slice %arg5[%dma_start3A, %dma_start3A_14] : memref<4x128xi32, #tpu.memory_space<vmem>> -> memref<1x128xi32, #tpu.memory_space<vmem>>
    %dma_start3A_16 = tpu.memref_squeeze %dma_start3A_15 : memref<1x128xi32, #tpu.memory_space<vmem>> -> memref<128xi32, #tpu.memory_space<vmem>>
    %dma_start3A_17 = arith.constant 0 : i32
    %dma_start3A_18 = arith.constant 0 : i32
    %dma_start3A_19 = tpu.memref_slice %arg2[%dma_start3A_17, %dma_start3A_18] : memref<8192x256xf32, #tpu.memory_space<hbm>> -> memref<8192x256xf32, #tpu.memory_space<hbm>>
    tpu.enqueue_indirect_dma source(%dma_start3A_19 : memref<8192x256xf32, #tpu.memory_space<hbm>>) target(%arg6 : memref<128x256xf32, #tpu.memory_space<vmem>>) offsets(%dma_start3A_16 : memref<128xi32, #tpu.memory_space<vmem>>) semaphore(%arg9 : memref<!tpu.dma_semaphore, #tpu.memory_space<semaphore_mem>>)
    %dma_start3A_20 = arith.constant 1 : i32
    %dma_start3A_21 = arith.constant 0 : i32
    %dma_start3A_22 = tpu.memref_slice %arg5[%dma_start3A_20, %dma_start3A_21] : memref<4x128xi32, #tpu.memory_space<vmem>> -> memref<1x128xi32, #tpu.memory_space<vmem>>
    %dma_start3A_23 = tpu.memref_squeeze %dma_start3A_22 : memref<1x128xi32, #tpu.memory_space<vmem>> -> memref<128xi32, #tpu.memory_space<vmem>>
    %dma_start3A_24 = arith.constant 0 : i32
    %dma_start3A_25 = arith.constant 0 : i32
    %dma_start3A_26 = tpu.memref_slice %arg2[%dma_start3A_24, %dma_start3A_25] : memref<8192x256xf32, #tpu.memory_space<hbm>> -> memref<8192x256xf32, #tpu.memory_space<hbm>>
    tpu.enqueue_indirect_dma source(%dma_start3A_26 : memref<8192x256xf32, #tpu.memory_space<hbm>>) target(%arg7 : memref<128x256xf32, #tpu.memory_space<vmem>>) offsets(%dma_start3A_23 : memref<128xi32, #tpu.memory_space<vmem>>) semaphore(%arg10 : memref<!tpu.dma_semaphore, #tpu.memory_space<semaphore_mem>>)
    %dma_start3A_27 = arith.constant 2 : i32
    %dma_start3A_28 = arith.constant 0 : i32
    %dma_start3A_29 = tpu.memref_slice %arg5[%dma_start3A_27, %dma_start3A_28] : memref<4x128xi32, #tpu.memory_space<vmem>> -> memref<1x128xi32, #tpu.memory_space<vmem>>
    %dma_start3A_30 = tpu.memref_squeeze %dma_start3A_29 : memref<1x128xi32, #tpu.memory_space<vmem>> -> memref<128xi32, #tpu.memory_space<vmem>>
    %dma_start3A_31 = arith.constant 0 : i32
    %dma_start3A_32 = arith.constant 0 : i32
    %dma_start3A_33 = tpu.memref_slice %arg2[%dma_start3A_31, %dma_start3A_32] : memref<8192x256xf32, #tpu.memory_space<hbm>> -> memref<8192x256xf32, #tpu.memory_space<hbm>>
    tpu.enqueue_indirect_dma source(%dma_start3A_33 : memref<8192x256xf32, #tpu.memory_space<hbm>>) target(%arg8 : memref<128x256xf32, #tpu.memory_space<vmem>>) offsets(%dma_start3A_30 : memref<128xi32, #tpu.memory_space<vmem>>) semaphore(%arg11 : memref<!tpu.dma_semaphore, #tpu.memory_space<semaphore_mem>>)
    %dma_wait3A = arith.constant 0 : i32
    %dma_wait3A_34 = arith.constant 0 : i32
    %dma_wait3A_35 = tpu.memref_slice %arg5[%dma_wait3A, %dma_wait3A_34] : memref<4x128xi32, #tpu.memory_space<vmem>> -> memref<1x128xi32, #tpu.memory_space<vmem>>
    %dma_wait3A_36 = tpu.memref_squeeze %dma_wait3A_35 : memref<1x128xi32, #tpu.memory_space<vmem>> -> memref<128xi32, #tpu.memory_space<vmem>>
    %dma_wait3A_37 = arith.constant 0 : i32
    %dma_wait3A_38 = arith.constant 0 : i32
    %dma_wait3A_39 = tpu.memref_slice %arg2[%dma_wait3A_37, %dma_wait3A_38] : memref<8192x256xf32, #tpu.memory_space<hbm>> -> memref<8192x256xf32, #tpu.memory_space<hbm>>
    tpu.wait_indirect_dma semaphore(%arg9 : memref<!tpu.dma_semaphore, #tpu.memory_space<semaphore_mem>>) src(%dma_wait3A_39 : memref<8192x256xf32, #tpu.memory_space<hbm>>) dst(%arg6 : memref<128x256xf32, #tpu.memory_space<vmem>>)
    %add3A_40 = arith.constant 0 : i32
    %add3A_41 = arith.addi %mul3A_2, %add3A_40 : i32
    %dma_start3A_42 = arith.constant 0 : i32
    %dma_start3A_43 = tpu.memref_slice %arg4[%add3A_41, %dma_start3A_42] : memref<16384x256xf32, #tpu.memory_space<hbm>> -> memref<128x256xf32, #tpu.memory_space<hbm>>
    %dma_start3A_44 = arith.constant 0 : i32
    %dma_start3A_45 = tpu.memref_slice %arg4[%add3A_41, %dma_start3A_44] : memref<16384x256xf32, #tpu.memory_space<hbm>> -> memref<128x256xf32, #tpu.memory_space<hbm>>
    tpu.enqueue_dma source(%arg6 : memref<128x256xf32, #tpu.memory_space<vmem>>) target(%dma_start3A_45 : memref<128x256xf32, #tpu.memory_space<hbm>>) target_semaphore(%arg12 : memref<!tpu.dma_semaphore, #tpu.memory_space<semaphore_mem>>)
    %dma_wait3A_46 = arith.constant 0 : i32
    %dma_wait3A_47 = tpu.memref_slice %arg4[%add3A_41, %dma_wait3A_46] : memref<16384x256xf32, #tpu.memory_space<hbm>> -> memref<128x256xf32, #tpu.memory_space<hbm>>
    %dma_wait3A_48 = arith.constant 0 : i32
    %dma_wait3A_49 = tpu.memref_slice %arg4[%add3A_41, %dma_wait3A_48] : memref<16384x256xf32, #tpu.memory_space<hbm>> -> memref<128x256xf32, #tpu.memory_space<hbm>>
    tpu.wait_dma2 semaphore(%arg12 : memref<!tpu.dma_semaphore, #tpu.memory_space<semaphore_mem>>) src(%arg6 : memref<128x256xf32, #tpu.memory_space<vmem>>) dst(%dma_wait3A_49 : memref<128x256xf32, #tpu.memory_space<hbm>>)
    %dma_start3A_50 = arith.constant 3 : i32
    %dma_start3A_51 = arith.constant 0 : i32
    %dma_start3A_52 = tpu.memref_slice %arg5[%dma_start3A_50, %dma_start3A_51] : memref<4x128xi32, #tpu.memory_space<vmem>> -> memref<1x128xi32, #tpu.memory_space<vmem>>
    %dma_start3A_53 = tpu.memref_squeeze %dma_start3A_52 : memref<1x128xi32, #tpu.memory_space<vmem>> -> memref<128xi32, #tpu.memory_space<vmem>>
    %dma_start3A_54 = arith.constant 0 : i32
    %dma_start3A_55 = arith.constant 0 : i32
    %dma_start3A_56 = tpu.memref_slice %arg2[%dma_start3A_54, %dma_start3A_55] : memref<8192x256xf32, #tpu.memory_space<hbm>> -> memref<8192x256xf32, #tpu.memory_space<hbm>>
    tpu.enqueue_indirect_dma source(%dma_start3A_56 : memref<8192x256xf32, #tpu.memory_space<hbm>>) target(%arg6 : memref<128x256xf32, #tpu.memory_space<vmem>>) offsets(%dma_start3A_53 : memref<128xi32, #tpu.memory_space<vmem>>) semaphore(%arg9 : memref<!tpu.dma_semaphore, #tpu.memory_space<semaphore_mem>>)
    %dma_wait3A_57 = arith.constant 1 : i32
    %dma_wait3A_58 = arith.constant 0 : i32
    %dma_wait3A_59 = tpu.memref_slice %arg5[%dma_wait3A_57, %dma_wait3A_58] : memref<4x128xi32, #tpu.memory_space<vmem>> -> memref<1x128xi32, #tpu.memory_space<vmem>>
    %dma_wait3A_60 = tpu.memref_squeeze %dma_wait3A_59 : memref<1x128xi32, #tpu.memory_space<vmem>> -> memref<128xi32, #tpu.memory_space<vmem>>
    %dma_wait3A_61 = arith.constant 0 : i32
    %dma_wait3A_62 = arith.constant 0 : i32
    %dma_wait3A_63 = tpu.memref_slice %arg2[%dma_wait3A_61, %dma_wait3A_62] : memref<8192x256xf32, #tpu.memory_space<hbm>> -> memref<8192x256xf32, #tpu.memory_space<hbm>>
    tpu.wait_indirect_dma semaphore(%arg10 : memref<!tpu.dma_semaphore, #tpu.memory_space<semaphore_mem>>) src(%dma_wait3A_63 : memref<8192x256xf32, #tpu.memory_space<hbm>>) dst(%arg7 : memref<128x256xf32, #tpu.memory_space<vmem>>)
    %add3A_64 = arith.constant 128 : i32
    %add3A_65 = arith.addi %mul3A_2, %add3A_64 : i32
    %dma_start3A_66 = arith.constant 0 : i32
    %dma_start3A_67 = tpu.memref_slice %arg4[%add3A_65, %dma_start3A_66] : memref<16384x256xf32, #tpu.memory_space<hbm>> -> memref<128x256xf32, #tpu.memory_space<hbm>>
    %dma_start3A_68 = arith.constant 0 : i32
    %dma_start3A_69 = tpu.memref_slice %arg4[%add3A_65, %dma_start3A_68] : memref<16384x256xf32, #tpu.memory_space<hbm>> -> memref<128x256xf32, #tpu.memory_space<hbm>>
    tpu.enqueue_dma source(%arg7 : memref<128x256xf32, #tpu.memory_space<vmem>>) target(%dma_start3A_69 : memref<128x256xf32, #tpu.memory_space<hbm>>) target_semaphore(%arg13 : memref<!tpu.dma_semaphore, #tpu.memory_space<semaphore_mem>>)
    %dma_wait3A_70 = arith.constant 2 : i32
    %dma_wait3A_71 = arith.constant 0 : i32
    %dma_wait3A_72 = tpu.memref_slice %arg5[%dma_wait3A_70, %dma_wait3A_71] : memref<4x128xi32, #tpu.memory_space<vmem>> -> memref<1x128xi32, #tpu.memory_space<vmem>>
    %dma_wait3A_73 = tpu.memref_squeeze %dma_wait3A_72 : memref<1x128xi32, #tpu.memory_space<vmem>> -> memref<128xi32, #tpu.memory_space<vmem>>
    %dma_wait3A_74 = arith.constant 0 : i32
    %dma_wait3A_75 = arith.constant 0 : i32
    %dma_wait3A_76 = tpu.memref_slice %arg2[%dma_wait3A_74, %dma_wait3A_75] : memref<8192x256xf32, #tpu.memory_space<hbm>> -> memref<8192x256xf32, #tpu.memory_space<hbm>>
    tpu.wait_indirect_dma semaphore(%arg11 : memref<!tpu.dma_semaphore, #tpu.memory_space<semaphore_mem>>) src(%dma_wait3A_76 : memref<8192x256xf32, #tpu.memory_space<hbm>>) dst(%arg8 : memref<128x256xf32, #tpu.memory_space<vmem>>)
    %add3A_77 = arith.constant 256 : i32
    %add3A_78 = arith.addi %mul3A_2, %add3A_77 : i32
    %dma_start3A_79 = arith.constant 0 : i32
    %dma_start3A_80 = tpu.memref_slice %arg4[%add3A_78, %dma_start3A_79] : memref<16384x256xf32, #tpu.memory_space<hbm>> -> memref<128x256xf32, #tpu.memory_space<hbm>>
    %dma_start3A_81 = arith.constant 0 : i32
    %dma_start3A_82 = tpu.memref_slice %arg4[%add3A_78, %dma_start3A_81] : memref<16384x256xf32, #tpu.memory_space<hbm>> -> memref<128x256xf32, #tpu.memory_space<hbm>>
    tpu.enqueue_dma source(%arg8 : memref<128x256xf32, #tpu.memory_space<vmem>>) target(%dma_start3A_82 : memref<128x256xf32, #tpu.memory_space<hbm>>) target_semaphore(%arg14 : memref<!tpu.dma_semaphore, #tpu.memory_space<semaphore_mem>>)
    %dma_wait3A_83 = arith.constant 3 : i32
    %dma_wait3A_84 = arith.constant 0 : i32
    %dma_wait3A_85 = tpu.memref_slice %arg5[%dma_wait3A_83, %dma_wait3A_84] : memref<4x128xi32, #tpu.memory_space<vmem>> -> memref<1x128xi32, #tpu.memory_space<vmem>>
    %dma_wait3A_86 = tpu.memref_squeeze %dma_wait3A_85 : memref<1x128xi32, #tpu.memory_space<vmem>> -> memref<128xi32, #tpu.memory_space<vmem>>
    %dma_wait3A_87 = arith.constant 0 : i32
    %dma_wait3A_88 = arith.constant 0 : i32
    %dma_wait3A_89 = tpu.memref_slice %arg2[%dma_wait3A_87, %dma_wait3A_88] : memref<8192x256xf32, #tpu.memory_space<hbm>> -> memref<8192x256xf32, #tpu.memory_space<hbm>>
    tpu.wait_indirect_dma semaphore(%arg9 : memref<!tpu.dma_semaphore, #tpu.memory_space<semaphore_mem>>) src(%dma_wait3A_89 : memref<8192x256xf32, #tpu.memory_space<hbm>>) dst(%arg6 : memref<128x256xf32, #tpu.memory_space<vmem>>)
    %add3A_90 = arith.constant 384 : i32
    %add3A_91 = arith.addi %mul3A_2, %add3A_90 : i32
    %dma_start3A_92 = arith.constant 0 : i32
    %dma_start3A_93 = tpu.memref_slice %arg4[%add3A_91, %dma_start3A_92] : memref<16384x256xf32, #tpu.memory_space<hbm>> -> memref<128x256xf32, #tpu.memory_space<hbm>>
    %dma_start3A_94 = arith.constant 0 : i32
    %dma_start3A_95 = tpu.memref_slice %arg4[%add3A_91, %dma_start3A_94] : memref<16384x256xf32, #tpu.memory_space<hbm>> -> memref<128x256xf32, #tpu.memory_space<hbm>>
    tpu.enqueue_dma source(%arg6 : memref<128x256xf32, #tpu.memory_space<vmem>>) target(%dma_start3A_95 : memref<128x256xf32, #tpu.memory_space<hbm>>) target_semaphore(%arg12 : memref<!tpu.dma_semaphore, #tpu.memory_space<semaphore_mem>>)
    %dma_wait3A_96 = arith.constant 0 : i32
    %dma_wait3A_97 = tpu.memref_slice %arg4[%add3A_65, %dma_wait3A_96] : memref<16384x256xf32, #tpu.memory_space<hbm>> -> memref<128x256xf32, #tpu.memory_space<hbm>>
    %dma_wait3A_98 = arith.constant 0 : i32
    %dma_wait3A_99 = tpu.memref_slice %arg4[%add3A_65, %dma_wait3A_98] : memref<16384x256xf32, #tpu.memory_space<hbm>> -> memref<128x256xf32, #tpu.memory_space<hbm>>
    tpu.wait_dma2 semaphore(%arg13 : memref<!tpu.dma_semaphore, #tpu.memory_space<semaphore_mem>>) src(%arg7 : memref<128x256xf32, #tpu.memory_space<vmem>>) dst(%dma_wait3A_99 : memref<128x256xf32, #tpu.memory_space<hbm>>)
    %dma_wait3A_100 = arith.constant 0 : i32
    %dma_wait3A_101 = tpu.memref_slice %arg4[%add3A_78, %dma_wait3A_100] : memref<16384x256xf32, #tpu.memory_space<hbm>> -> memref<128x256xf32, #tpu.memory_space<hbm>>
    %dma_wait3A_102 = arith.constant 0 : i32
    %dma_wait3A_103 = tpu.memref_slice %arg4[%add3A_78, %dma_wait3A_102] : memref<16384x256xf32, #tpu.memory_space<hbm>> -> memref<128x256xf32, #tpu.memory_space<hbm>>
    tpu.wait_dma2 semaphore(%arg14 : memref<!tpu.dma_semaphore, #tpu.memory_space<semaphore_mem>>) src(%arg8 : memref<128x256xf32, #tpu.memory_space<vmem>>) dst(%dma_wait3A_103 : memref<128x256xf32, #tpu.memory_space<hbm>>)
    %dma_wait3A_104 = arith.constant 0 : i32
    %dma_wait3A_105 = tpu.memref_slice %arg4[%add3A_91, %dma_wait3A_104] : memref<16384x256xf32, #tpu.memory_space<hbm>> -> memref<128x256xf32, #tpu.memory_space<hbm>>
    %dma_wait3A_106 = arith.constant 0 : i32
    %dma_wait3A_107 = tpu.memref_slice %arg4[%add3A_91, %dma_wait3A_106] : memref<16384x256xf32, #tpu.memory_space<hbm>> -> memref<128x256xf32, #tpu.memory_space<hbm>>
    tpu.wait_dma2 semaphore(%arg12 : memref<!tpu.dma_semaphore, #tpu.memory_space<semaphore_mem>>) src(%arg6 : memref<128x256xf32, #tpu.memory_space<vmem>>) dst(%dma_wait3A_107 : memref<128x256xf32, #tpu.memory_space<hbm>>)
    return
  }
}

module attributes {stable_mosaic.version = 14 : i64} {
  func.func @_argmin_body(%arg0: i32, %arg1: memref<512x1xf32, #tpu.memory_space<vmem>>, %arg2: memref<512x256xbf16, #tpu.memory_space<vmem>>, %arg3: memref<1x8192xf32, #tpu.memory_space<vmem>>, %arg4: memref<8192x256xbf16, #tpu.memory_space<vmem>>, %arg5: memref<512x1xi32, #tpu.memory_space<vmem>>, %arg6: memref<1x1xf32, #tpu.memory_space<vmem>>) attributes {dimension_semantics = [#tpu.dimension_semantics<arbitrary>], iteration_bounds = array<i64: 32>, scalar_prefetch = 0 : i64, scratch_operands = 0 : i64, tpu.core_type = #tpu.core_type<tc>, window_params = [{transform_indices = @transform_0, window_bounds = array<i64: 512, 1>}, {transform_indices = @transform_1, window_bounds = array<i64: 512, 256>}, {pipeline_mode = #tpu.pipeline_mode<synchronous>, transform_indices = @transform_2, window_bounds = array<i64: 1, 8192>}, {pipeline_mode = #tpu.pipeline_mode<synchronous>, transform_indices = @transform_3, window_bounds = array<i64: 8192, 256>}, {transform_indices = @transform_4, window_bounds = array<i64: 512, 1>}, {pipeline_mode = #tpu.pipeline_mode<synchronous>, transform_indices = @transform_5, window_bounds = array<i64: 1, 1>}]} {
    %get3A = arith.constant 0 : index
    %get3A_0 = arith.constant 0 : index
    %get3A_1 = vector.load %arg1[%get3A, %get3A_0] : memref<512x1xf32, #tpu.memory_space<vmem>>, vector<512x1xf32>
    %get3A_2 = arith.constant 0 : index
    %get3A_3 = arith.constant 0 : index
    %get3A_4 = vector.load %arg2[%get3A_2, %get3A_3] : memref<512x256xbf16, #tpu.memory_space<vmem>>, vector<512x256xbf16>
    %get3A_5 = arith.constant 0 : index
    %get3A_6 = arith.constant 0 : index
    %get3A_7 = vector.load %arg4[%get3A_5, %get3A_6] : memref<8192x256xbf16, #tpu.memory_space<vmem>>, vector<8192x256xbf16>
    %dot_general3A = arith.constant dense<0.000000e+00> : vector<512x8192xf32>
    %dot_general3A_8 = tpu.matmul %get3A_4, %get3A_7, %dot_general3A {dimension_numbers = #tpu.dot_dimension_numbers<[1], [1], [0], [0], [0, 0, 1, 0], [], []>, transpose_lhs_hint = false} : vector<512x256xbf16>, vector<8192x256xbf16>, vector<512x8192xf32> -> vector<512x8192xf32>
    %get3A_9 = arith.constant 0 : index
    %get3A_10 = arith.constant 0 : index
    %get3A_11 = vector.load %arg3[%get3A_9, %get3A_10] : memref<1x8192xf32, #tpu.memory_space<vmem>>, vector<1x8192xf32>
    %add3A = vector.broadcast %get3A_1 : vector<512x1xf32> to vector<512x8192xf32>
    %add3A_12 = vector.broadcast %get3A_11 : vector<1x8192xf32> to vector<512x8192xf32>
    %add3A_13 = arith.addf %add3A, %add3A_12 : vector<512x8192xf32>
    %sub3A = arith.subf %add3A_13, %dot_general3A_8 : vector<512x8192xf32>
    %slice3A = vector.extract_strided_slice %sub3A {offsets = [0, 0], sizes = [512, 2736], strides = [1, 1]} : vector<512x8192xf32> to vector<512x2736xf32>
    %reduce_min3A = arith.constant dense<0x7F800000> : vector<512xf32>
    %reduce_min3A_14 = vector.multi_reduction <minimumf>, %slice3A, %reduce_min3A [1] : vector<512x2736xf32> to vector<512xf32>
    %broadcast_in_dim3A = vector.shape_cast %reduce_min3A_14 : vector<512xf32> to vector<512x1xf32>
    %iota3A = tpu.iota {dimensions = array<i32: 1>} : vector<1x2736xi32>
    %convert_element_type3A = arith.sitofp %iota3A : vector<1x2736xi32> to vector<1x2736xf32>
    %eq3A = vector.broadcast %broadcast_in_dim3A : vector<512x1xf32> to vector<512x2736xf32>
    %eq3A_15 = arith.cmpf oeq, %slice3A, %eq3A : vector<512x2736xf32>
    %jit3A = arith.constant 0x7F800000 : f32
    %broadcast_in_dim3A_16 = vector.shape_cast %convert_element_type3A : vector<1x2736xf32> to vector<1x2736xf32>
    %broadcast_in_dim3A_17 = vector.broadcast %broadcast_in_dim3A_16 : vector<1x2736xf32> to vector<512x2736xf32>
    %broadcast_in_dim3A_18 = vector.broadcast %jit3A : f32 to vector<512x2736xf32>
    %select_n3A = arith.select %eq3A_15, %broadcast_in_dim3A_17, %broadcast_in_dim3A_18 : vector<512x2736xi1>, vector<512x2736xf32>
    %reduce_min3A_19 = arith.constant dense<0x7F800000> : vector<512xf32>
    %reduce_min3A_20 = vector.multi_reduction <minimumf>, %select_n3A, %reduce_min3A_19 [1] : vector<512x2736xf32> to vector<512xf32>
    %broadcast_in_dim3A_21 = vector.shape_cast %reduce_min3A_20 : vector<512xf32> to vector<512x1xf32>
    %convert_element_type3A_22 = arith.fptosi %broadcast_in_dim3A_21 : vector<512x1xf32> to vector<512x1xi32>
    %add3A_23 = arith.constant 0 : i32
    %add3A_24 = vector.broadcast %add3A_23 : i32 to vector<512x1xi32>
    %add3A_25 = arith.addi %convert_element_type3A_22, %add3A_24 : vector<512x1xi32>
    %bitcast_convert_type3A = tpu.bitcast %broadcast_in_dim3A : vector<512x1xf32> -> vector<512x1xi32>
    %add3A_26 = arith.constant 32767 : i32
    %add3A_27 = vector.broadcast %add3A_26 : i32 to vector<512x1xi32>
    %add3A_28 = arith.addi %bitcast_convert_type3A, %add3A_27 : vector<512x1xi32>
    %shift_right_logical3A = arith.constant 16 : i32
    %shift_right_logical3A_29 = vector.broadcast %shift_right_logical3A : i32 to vector<512x1xi32>
    %shift_right_logical3A_30 = arith.shrui %bitcast_convert_type3A, %shift_right_logical3A_29 : vector<512x1xi32>
    %and3A = arith.constant 1 : i32
    %and3A_31 = vector.broadcast %and3A : i32 to vector<512x1xi32>
    %and3A_32 = arith.andi %shift_right_logical3A_30, %and3A_31 : vector<512x1xi32>
    %add3A_33 = arith.addi %add3A_28, %and3A_32 : vector<512x1xi32>
    %and3A_34 = arith.constant -65536 : i32
    %and3A_35 = vector.broadcast %and3A_34 : i32 to vector<512x1xi32>
    %and3A_36 = arith.andi %add3A_33, %and3A_35 : vector<512x1xi32>
    %bitcast_convert_type3A_37 = tpu.bitcast %and3A_36 : vector<512x1xi32> -> vector<512x1xf32>
    %slice3A_38 = vector.extract_strided_slice %sub3A {offsets = [0, 2736], sizes = [512, 2736], strides = [1, 1]} : vector<512x8192xf32> to vector<512x2736xf32>
    %reduce_min3A_39 = arith.constant dense<0x7F800000> : vector<512xf32>
    %reduce_min3A_40 = vector.multi_reduction <minimumf>, %slice3A_38, %reduce_min3A_39 [1] : vector<512x2736xf32> to vector<512xf32>
    %broadcast_in_dim3A_41 = vector.shape_cast %reduce_min3A_40 : vector<512xf32> to vector<512x1xf32>
    %iota3A_42 = tpu.iota {dimensions = array<i32: 1>} : vector<1x2736xi32>
    %convert_element_type3A_43 = arith.sitofp %iota3A_42 : vector<1x2736xi32> to vector<1x2736xf32>
    %eq3A_44 = vector.broadcast %broadcast_in_dim3A_41 : vector<512x1xf32> to vector<512x2736xf32>
    %eq3A_45 = arith.cmpf oeq, %slice3A_38, %eq3A_44 : vector<512x2736xf32>
    %jit3A_46 = arith.constant 0x7F800000 : f32
    %broadcast_in_dim3A_47 = vector.shape_cast %convert_element_type3A_43 : vector<1x2736xf32> to vector<1x2736xf32>
    %broadcast_in_dim3A_48 = vector.broadcast %broadcast_in_dim3A_47 : vector<1x2736xf32> to vector<512x2736xf32>
    %broadcast_in_dim3A_49 = vector.broadcast %jit3A_46 : f32 to vector<512x2736xf32>
    %select_n3A_50 = arith.select %eq3A_45, %broadcast_in_dim3A_48, %broadcast_in_dim3A_49 : vector<512x2736xi1>, vector<512x2736xf32>
    %reduce_min3A_51 = arith.constant dense<0x7F800000> : vector<512xf32>
    %reduce_min3A_52 = vector.multi_reduction <minimumf>, %select_n3A_50, %reduce_min3A_51 [1] : vector<512x2736xf32> to vector<512xf32>
    %broadcast_in_dim3A_53 = vector.shape_cast %reduce_min3A_52 : vector<512xf32> to vector<512x1xf32>
    %convert_element_type3A_54 = arith.fptosi %broadcast_in_dim3A_53 : vector<512x1xf32> to vector<512x1xi32>
    %add3A_55 = arith.constant 2736 : i32
    %add3A_56 = vector.broadcast %add3A_55 : i32 to vector<512x1xi32>
    %add3A_57 = arith.addi %convert_element_type3A_54, %add3A_56 : vector<512x1xi32>
    %lt3A = arith.cmpf olt, %broadcast_in_dim3A_41, %bitcast_convert_type3A_37 : vector<512x1xf32>
    %select_n3A_58 = arith.select %lt3A, %add3A_57, %add3A_25 : vector<512x1xi1>, vector<512x1xi32>
    %select_n3A_59 = arith.select %lt3A, %broadcast_in_dim3A_41, %broadcast_in_dim3A : vector<512x1xi1>, vector<512x1xf32>
    %select_n3A_60 = arith.select %lt3A, %broadcast_in_dim3A_41, %bitcast_convert_type3A_37 : vector<512x1xi1>, vector<512x1xf32>
    %bitcast_convert_type3A_61 = tpu.bitcast %select_n3A_60 : vector<512x1xf32> -> vector<512x1xi32>
    %add3A_62 = arith.constant 32767 : i32
    %add3A_63 = vector.broadcast %add3A_62 : i32 to vector<512x1xi32>
    %add3A_64 = arith.addi %bitcast_convert_type3A_61, %add3A_63 : vector<512x1xi32>
    %shift_right_logical3A_65 = arith.constant 16 : i32
    %shift_right_logical3A_66 = vector.broadcast %shift_right_logical3A_65 : i32 to vector<512x1xi32>
    %shift_right_logical3A_67 = arith.shrui %bitcast_convert_type3A_61, %shift_right_logical3A_66 : vector<512x1xi32>
    %and3A_68 = arith.constant 1 : i32
    %and3A_69 = vector.broadcast %and3A_68 : i32 to vector<512x1xi32>
    %and3A_70 = arith.andi %shift_right_logical3A_67, %and3A_69 : vector<512x1xi32>
    %add3A_71 = arith.addi %add3A_64, %and3A_70 : vector<512x1xi32>
    %and3A_72 = arith.constant -65536 : i32
    %and3A_73 = vector.broadcast %and3A_72 : i32 to vector<512x1xi32>
    %and3A_74 = arith.andi %add3A_71, %and3A_73 : vector<512x1xi32>
    %bitcast_convert_type3A_75 = tpu.bitcast %and3A_74 : vector<512x1xi32> -> vector<512x1xf32>
    %slice3A_76 = vector.extract_strided_slice %sub3A {offsets = [0, 5472], sizes = [512, 2720], strides = [1, 1]} : vector<512x8192xf32> to vector<512x2720xf32>
    %reduce_min3A_77 = arith.constant dense<0x7F800000> : vector<512xf32>
    %reduce_min3A_78 = vector.multi_reduction <minimumf>, %slice3A_76, %reduce_min3A_77 [1] : vector<512x2720xf32> to vector<512xf32>
    %broadcast_in_dim3A_79 = vector.shape_cast %reduce_min3A_78 : vector<512xf32> to vector<512x1xf32>
    %iota3A_80 = tpu.iota {dimensions = array<i32: 1>} : vector<1x2720xi32>
    %convert_element_type3A_81 = arith.sitofp %iota3A_80 : vector<1x2720xi32> to vector<1x2720xf32>
    %eq3A_82 = vector.broadcast %broadcast_in_dim3A_79 : vector<512x1xf32> to vector<512x2720xf32>
    %eq3A_83 = arith.cmpf oeq, %slice3A_76, %eq3A_82 : vector<512x2720xf32>
    %jit3A_84 = arith.constant 0x7F800000 : f32
    %broadcast_in_dim3A_85 = vector.shape_cast %convert_element_type3A_81 : vector<1x2720xf32> to vector<1x2720xf32>
    %broadcast_in_dim3A_86 = vector.broadcast %broadcast_in_dim3A_85 : vector<1x2720xf32> to vector<512x2720xf32>
    %broadcast_in_dim3A_87 = vector.broadcast %jit3A_84 : f32 to vector<512x2720xf32>
    %select_n3A_88 = arith.select %eq3A_83, %broadcast_in_dim3A_86, %broadcast_in_dim3A_87 : vector<512x2720xi1>, vector<512x2720xf32>
    %reduce_min3A_89 = arith.constant dense<0x7F800000> : vector<512xf32>
    %reduce_min3A_90 = vector.multi_reduction <minimumf>, %select_n3A_88, %reduce_min3A_89 [1] : vector<512x2720xf32> to vector<512xf32>
    %broadcast_in_dim3A_91 = vector.shape_cast %reduce_min3A_90 : vector<512xf32> to vector<512x1xf32>
    %convert_element_type3A_92 = arith.fptosi %broadcast_in_dim3A_91 : vector<512x1xf32> to vector<512x1xi32>
    %add3A_93 = arith.constant 5472 : i32
    %add3A_94 = vector.broadcast %add3A_93 : i32 to vector<512x1xi32>
    %add3A_95 = arith.addi %convert_element_type3A_92, %add3A_94 : vector<512x1xi32>
    %lt3A_96 = arith.cmpf olt, %broadcast_in_dim3A_79, %bitcast_convert_type3A_75 : vector<512x1xf32>
    %select_n3A_97 = arith.select %lt3A_96, %add3A_95, %select_n3A_58 : vector<512x1xi1>, vector<512x1xi32>
    %select_n3A_98 = arith.select %lt3A_96, %broadcast_in_dim3A_79, %select_n3A_59 : vector<512x1xi1>, vector<512x1xf32>
    %swap3A = arith.constant 0 : index
    %swap3A_99 = arith.constant 0 : index
    %swap3A_100 = vector.load %arg5[%swap3A, %swap3A_99] : memref<512x1xi32, #tpu.memory_space<vmem>>, vector<512x1xi32>
    tpu.vector_store %arg5[%swap3A, %swap3A_99], %select_n3A_97 {strides = array<i32>} : memref<512x1xi32, #tpu.memory_space<vmem>>, vector<512x1xi32>,
    %reduce_sum3A = vector.shape_cast %select_n3A_98 : vector<512x1xf32> to vector<1x512x1xf32>
    %reduce_sum3A_101 = arith.constant dense<0.000000e+00> : vector<1xf32>
    %reduce_sum3A_102 = vector.multi_reduction <add>, %reduce_sum3A, %reduce_sum3A_101 [1, 2] : vector<1x512x1xf32> to vector<1xf32>
    %reduce_sum3A_103 = vector.shape_cast %reduce_sum3A_102 : vector<1xf32> to vector<1x1x1xf32>
    %reduce_sum3A_104 = vector.extract %reduce_sum3A_103[0, 0, 0] : f32 from vector<1x1x1xf32>
    %broadcast_in_dim3A_105 = vector.broadcast %reduce_sum3A_104 : f32 to vector<1x1xf32>
    %eq3A_106 = arith.constant 0 : i32
    %eq3A_107 = arith.cmpi eq, %arg0, %eq3A_106 : i32
    %broadcast_in_dim3A_108 = arith.constant 0.000000e+00 : f32
    %broadcast_in_dim3A_109 = vector.broadcast %broadcast_in_dim3A_108 : f32 to vector<1x1xf32>
    %get3A_110 = arith.constant 0 : index
    %get3A_111 = arith.constant 0 : index
    %get3A_112 = vector.load %arg6[%get3A_110, %get3A_111] : memref<1x1xf32, #tpu.memory_space<vmem>>, vector<1x1xf32>
    %select_n3A_113 = arith.select %eq3A_107, %broadcast_in_dim3A_109, %get3A_112 : vector<1x1xf32>
    %add3A_114 = arith.addf %select_n3A_113, %broadcast_in_dim3A_105 : vector<1x1xf32>
    %swap3A_115 = arith.constant 0 : index
    %swap3A_116 = arith.constant 0 : index
    %swap3A_117 = vector.load %arg6[%swap3A_115, %swap3A_116] : memref<1x1xf32, #tpu.memory_space<vmem>>, vector<1x1xf32>
    tpu.vector_store %arg6[%swap3A_115, %swap3A_116], %add3A_114 {strides = array<i32>} : memref<1x1xf32, #tpu.memory_space<vmem>>, vector<1x1xf32>,
    return
  }
  func.func @transform_0(%arg0: i32) -> (i32, i32) {
    %c0_i32 = arith.constant 0 : i32
    %c0_i32_0 = arith.constant 0 : i32
    return %arg0, %c0_i32 : i32, i32
  }
  func.func @transform_1(%arg0: i32) -> (i32, i32) {
    %c0_i32 = arith.constant 0 : i32
    %c0_i32_0 = arith.constant 0 : i32
    return %arg0, %c0_i32 : i32, i32
  }
  func.func @transform_2(%arg0: i32) -> (i32, i32) {
    %c0_i32 = arith.constant 0 : i32
    %c0_i32_0 = arith.constant 0 : i32
    %c0_i32_1 = arith.constant 0 : i32
    return %c0_i32, %c0_i32_0 : i32, i32
  }
  func.func @transform_3(%arg0: i32) -> (i32, i32) {
    %c0_i32 = arith.constant 0 : i32
    %c0_i32_0 = arith.constant 0 : i32
    %c0_i32_1 = arith.constant 0 : i32
    return %c0_i32, %c0_i32_0 : i32, i32
  }
  func.func @transform_4(%arg0: i32) -> (i32, i32) {
    %c0_i32 = arith.constant 0 : i32
    %c0_i32_0 = arith.constant 0 : i32
    return %arg0, %c0_i32 : i32, i32
  }
  func.func @transform_5(%arg0: i32) -> (i32, i32) {
    %c0_i32 = arith.constant 0 : i32
    %c0_i32_0 = arith.constant 0 : i32
    %c0_i32_1 = arith.constant 0 : i32
    return %c0_i32, %c0_i32_0 : i32, i32
  }
}

</mosaic_0001>

<sc_bundles>
// kernel: kernel.4.cloned.1.call-start
scs
__scs_entry_jumppad:
0x0: {  	(pc) =	sbr.rel $0x88, $3  }
0x1: {  	(tag) =	ssettag $0x0;
	lr =	simm.s32 $0x1  }
0x2: {  	[smem:$0x3F9F] =	sst lr;
	_ =	strace $0xD0000000  }
0x3: {  	_ = 	snop  }
0x4: {  	_ = 	snop  }
0x5: {  	_ = 	snop  }
0x6: {  	_ = 	snop  }
0x7: {  	_ = 	snop  }
__scs_overlays_trampoline_lowered:
0x8: {  	[smem:$0x3FAE] =	sst s0  }
0x9: {  	[smem:$0x3FAF] =	sst s1  }
0xa: {  	[smem:$0x3FB0] =	sst s2  }
0xb: {  	[smem:$0x3FB1] =	sst s3  }
0xc: {  	[smem:$0x3FB2] =	sst s4  }
0xd: {  	[smem:$0x3FB3] =	sst s5  }
0xe: {  	[smem:$0x3FB4] =	sst s6  }
0xf: {  	[smem:$0x3FB5] =	sst s7  }
0x10: {  	[smem:$0x3FB6] =	sst s8  }
0x11: {  	[smem:$0x3FB7] =	sst s9;
	s0 =	simm.s32 @!p0 $0x0  }
0x12: {  	s1 =	sld [smem:$0x3F9D];
	s0 =	simm.s32 @p0 $0x1  }
0x13: {  	[smem:$0x3FB8] =	sst s0;
	s0 =	simm.s32 @!p1 $0x0  }
0x14: {  	s2 =	sld [smem:$0x3F9C];
	s0 =	simm.s32 @p1 $0x1  }
0x15: {  	[smem:$0x3FB9] =	sst s0;
	s0 =	simm.s32 @!p2 $0x0  }
0x16: {  	s3 =	sld [smem:$0x3FDB];
	s0 =	simm.s32 @p2 $0x1  }
0x17: {  	s4 =	simm.s32 $0x1BF5;
	[smem:$0x3FBB] =	sst s0  }
0x18: {  	s0 =	sld [smem:$0x3F9E];
	_ =	swait.ge [sflag:s4], $0x0  }
0x19: {  	s7 =	sld [smem:$0x3F9F]  }
0x1a: {  	s8 =	sadd.s32 $0xFFFFE003, lr  }
0x1b: {  	s9 =	sadd.s32 $0xFFFFFEF7, lr;
	s5 =	simm.s32 $0xFFFFFFFF;
	p2 =	slt.u32 s8, $0xFFFFF086  }
0x1c: {  	p1 =	slt.u32 s9, $0xF7A;
	s5 =	simm.s32 @!p2 $0x0  }
0x1d: {  	s5 =	simm.s32 @p1 $0x1;
	p0 =	seq.s32 s7, s2  }
0x1e: {  	s7 =	smul.u32 @!p0 $0xF7A, s2;
	p2 =	seq.s32 @!p0 s5, $0x0  }
0x1f: {  	s9 =	smul.u32 $0xF7A, s1;
	s8 =	simm.s32 @!p0 $0x1BF5;
	p2 =	por !p2, p0  }
0x20: {  	[sflag:s8] =	ssyncset.s32 @!p0 $0xFFFFF086;
	s6 =	sadd.s32 @!p0 s3, s7;
	s7 =	simm.s32 @!p0 $0x108  }
0x21: {  	s3 =	sadd.s32 s3, s9;
	s6 =	sadd.s32 @!p0 $0x88, s6;
	s7 =	simm.s32 @p2 $0x1082  }
0x22: {  	[simem:s7], [sflag:s8] =	dma.local @!p0 [hbm:s6], $0xF7A  }
0x23: {  	s9 =	sor.u32 $0xD0000000, s2;
	s6 =	simm.s32 $0x108;
	_ =	swait.ge @!p0 [sflag:s8], $0x0  }
0x24: {  	s3 =	sadd.s32 $0x88, s3;
	s6 =	simm.s32 @!p1 $0x1082;
	[sflag:s4] =	ssyncset.s32 $0xFFFFF086  }
0x25: {  	[simem:s6], [sflag:s4] =	dma.local [hbm:s3], $0xF7A  }
0x26: {  	[smem:$0x3F9F] =	sst s1;
	(tag) =	ssettag s2;
	_ =	strace s9  }
0x27: {  	s1 =	sld [smem:$0x3FAF]  }
0x28: {  	s2 =	sld [smem:$0x3FB0]  }
0x29: {  	s4 =	sld [smem:$0x3FB2]  }
0x2a: {  	p0 =	seq.s32 s5, $0x0;
	s5 =	sld [smem:$0x3FB3]  }
0x2b: {  	s6 =	sld [smem:$0x3FB4]  }
0x2c: {  	s7 =	sld [smem:$0x3FB5]  }
0x2d: {  	s3 =	simm.s32 $0x108;
	s8 =	sld [smem:$0x3FB6]  }
0x2e: {  	s3 =	simm.s32 @!p0 $0x1082;
	s9 =	sld [smem:$0x3FB7]  }
0x2f: {  	lr =	sadd.s32 s0, s3;
	s0 =	sld [smem:$0x3FAE]  }
0x30: {  	s3 =	sld [smem:$0x3FB1]  }
0x31: {  	[smem:$0x3FBA] =	sst s10  }
0x32: {  	s10 =	sld [smem:$0x3FB8];
	_ =	sdelay $0x3  }
0x33: {  	p0 =	seq.s32 s10, $0x1;
	s10 =	sld [smem:$0x3FBA];
	_ =	sdelay $0x3  }
0x34: {  	[smem:$0x3FBA] =	sst s10  }
0x35: {  	s10 =	sld [smem:$0x3FB9];
	_ =	sdelay $0x3  }
0x36: {  	p1 =	seq.s32 s10, $0x1;
	s10 =	sld [smem:$0x3FBA];
	_ =	sdelay $0x3  }
0x37: {  	[smem:$0x3FBA] =	sst s10  }
0x38: {  	s10 =	sld [smem:$0x3FBB]  }
0x39: {  	_ = 	snop;
	(pc) =	sbr.ind lr, $3  }
0x3a: {  	_ = 	snop  }
0x3b: {  	_ = 	snop  }
0x3c: {  	p2 =	seq.s32 s10, $0x1;
	s10 =	sld [smem:$0x3FBA]  }
0x3d: {  	_ =	shalt  }
0x3e: {  	_ =	shalt  }
0x3f: {  	_ =	shalt  }
0x40: {  	_ =	shalt  }
0x41: {  	_ =	shalt  }
0x42: {  	_ =	shalt  }
0x43: {  	_ =	shalt  }
0x44: {  	_ =	shalt  }
0x45: {  	_ =	shalt  }
0x46: {  	_ =	shalt  }
0x47: {  	_ =	shalt  }
0x48: {  	_ =	shalt  }
0x49: {  	_ =	shalt  }
0x4a: {  	_ =	shalt  }
0x4b: {  	_ =	shalt  }
0x4c: {  	_ =	shalt  }
0x4d: {  	_ =	shalt  }
0x4e: {  	_ =	shalt  }
0x4f: {  	_ =	shalt  }
0x50: {  	_ =	shalt  }
0x51: {  	_ =	shalt  }
0x52: {  	_ =	shalt  }
0x53: {  	_ =	shalt  }
0x54: {  	_ =	shalt  }
0x55: {  	_ =	shalt  }
0x56: {  	_ =	shalt  }
0x57: {  	_ =	shalt  }
0x58: {  	_ =	shalt  }
0x59: {  	_ =	shalt  }
0x5a: {  	_ =	shalt  }
0x5b: {  	_ =	shalt  }
0x5c: {  	_ =	shalt  }
0x5d: {  	_ =	shalt  }
0x5e: {  	_ =	shalt  }
0x5f: {  	_ =	shalt  }
0x60: {  	_ =	shalt  }
0x61: {  	_ =	shalt  }
0x62: {  	_ =	shalt  }
0x63: {  	_ =	shalt  }
0x64: {  	_ =	shalt  }
0x65: {  	_ =	shalt  }
0x66: {  	_ =	shalt  }
0x67: {  	_ =	shalt  }
0x68: {  	_ =	shalt  }
0x69: {  	_ =	shalt  }
0x6a: {  	_ =	shalt  }
0x6b: {  	_ =	shalt  }
0x6c: {  	_ =	shalt  }
0x6d: {  	_ =	shalt  }
0x6e: {  	_ =	shalt  }
0x6f: {  	_ =	shalt  }
0x70: {  	_ =	shalt  }
0x71: {  	_ =	shalt  }
0x72: {  	_ =	shalt  }
0x73: {  	_ =	shalt  }
0x74: {  	_ =	shalt  }
0x75: {  	_ =	shalt  }
0x76: {  	_ =	shalt  }
0x77: {  	_ =	shalt  }
0x78: {  	_ =	shalt  }
0x79: {  	_ =	shalt  }
0x7a: {  	_ =	shalt  }
0x7b: {  	_ =	shalt  }
0x7c: {  	_ =	shalt  }
0x7d: {  	_ =	shalt  }
0x7e: {  	_ =	shalt  }
0x7f: {  	_ =	shalt  }
0x80: {  	_ =	shalt  }
0x81: {  	_ =	shalt  }
0x82: {  	_ =	shalt  }
0x83: {  	_ =	shalt  }
0x84: {  	_ =	shalt  }
0x85: {  	_ =	shalt  }
0x86: {  	_ =	shalt  }
0x87: {  	_ =	shalt  }
.Lfunc_end0:
.L_simem_size_0:
called_computation_lowered:
.L_overlay_start_0:
0x88: {  	s2 =	sld [smem:$0x3FD9]  }
0x89: {  	s3 =	sld [smem:$0x3FFE];
	_ =	sdelay $0x1  }
0x8a: {  	s1 =	srdreg.scid  }
0x8b: {  	s0 =	sand.u32 $0x1, s1  }
0x8c: {  	s14 =	sshll.u32 s0, $0xA;
	s2 =	sadd.s32 s3, s2  }
0x8d: {  	s2 =	sadd.s32 s2, s14  }
0x8e: {  	[smem:$0x3FC6] =	sst s2  }
0x8f: {  	_ = 	snop  }
0x90: {  	s2 =	sld [smem:$0x3FD0];
	_ =	sdelay $0x2  }
0x91: {  	s4 =	simm.s32 $0xA;
	s5 =	simm.s32 $0x10;
	s15 =	sld [smem:$0x3FC8]  }
0x92: {  	[smem:s5], [sflag:s4] =	dma.local [hbm:s2], $0x1  }
0x93: {  	_ =	swait.eq [sflag:s4], $0x1  }
0x94: {  	[sflag:s4] =	ssyncset.done $0x0  }
0x95: {  	[sflag:s4] =	ssyncadd.s32 $0xFFFFFFFF  }
0x96: {  	s16 =	sld [smem:$0x11];
	(tm) =	ssettm $0x1  }
0x97: {  	s17 =	sld [smem:$0x3FFB];
	_ =	sdelay $0x3  }
0x98: {  	_ =	strace s17  }
0x99: {  	s4 =	sld [smem:$0x3FFC];
	_ =	sdelay $0x3  }
0x9a: {  	_ =	strace s4  }
0x9b: {  	s4 =	sld [smem:$0x3FFD];
	_ =	sdelay $0x3  }
0x9c: {  	_ =	strace s4  }
0x9d: {  	_ =	strace $0x8FFFFFFF  }
0x9e: {  	s18 =	sld [smem:$0x3FDB];
	_ =	sdelay $0x1  }
0x9f: {  	s19 =	simm.s32 $_scs_section_size  }
0xa0: {  	s6 =	simm.s32 $_size__tile_overlayer_lowered;
	s7 =	simm.s32 $_tile_overlayer_lowered  }
0xa1: {  	s22 =	simm.s32 $0x1BFF;
	s21 =	sshll.u32 s7, $0x1;
	s4 =	sadd.s32 s19, s18  }
0xa2: {  	s8 =	simm.s32 $0x0;
	s20 =	sshll.u32 s6, $0x1;
	s6 =	sadd.s32 s21, s4  }
0xa3: {  	[timem:s8], [sflag:s22] =	dma.local [hbm:s6], s20  }
0xa4: {  	_ =	swait.ge [sflag:s22], s20  }
0xa5: {  	s5 =	ssub.s32 $0x0, s20;
	[sflag:s22] =	ssyncset.done $0x0  }
0xa6: {  	[sflag:s22] =	ssyncadd.s32 s5;
	_ =	sdelay $0x1  }
0xa7: {  	s23 =	simm.s32 $0x1B8B  }
0xa8: {  	_ =	swait.ge [sflag:s23], $0x1  }
0xa9: {  	[sflag:s23] =	ssyncset.done $0x0  }
0xaa: {  	s25 =	simm.s32 $0x1B8E;
	s24 =	sld [smem:$0x3FFE];
	[sflag:s23] =	ssyncadd.s32 $0xFFFFFFFF  }
0xab: {  	s26 =	simm.s32 $execute0_lowered;
	[smem:$0x3FD2] =	sst s25  }
0xac: {  	s6 =	sshll.u32 s26, $0x1;
	_ =	strace $0x80000046;
	[dreg:$0x1] =	wrdreg $0xFFFFFFFF  }
0xad: {  	s28 =	simm.s32 $_size_execute0_lowered;
	s4 =	sadd.s32 s4, s6;
	[dreg:$0x0] =	wrdreg $0x0  }
0xae: {  	s6 =	sshll.u32 s28, $0x1;
	[dreg:$0x2] =	wrdreg s4  }
0xaf: {  	[dreg:$0x3] =	wrdreg s6  }
0xb0: {  	[dreg:$0x4] =	wrdreg $0xC0  }
0xb1: {  	_ =	task [dreg:s8], $0x5FFFF  }
0xb2: {  	[dreg:$0x1] =	wrdreg $0xFFFFFFFF  }
0xb3: {  	[dreg:$0x0] =	wrdreg $0x60  }
0xb4: {  	[dreg:$0x2] =	wrdreg s15  }
0xb5: {  	[dreg:$0x3] =	wrdreg s24  }
0xb6: {  	[dreg:$0x4] =	wrdreg s16  }
0xb7: {  	[dreg:$0x5] =	wrdreg $0x9  }
0xb8: {  	_ =	task.clear_ibuf [dreg:s8], $0x6FFFF;
	_ =	strace $0x90000046  }
0xb9: {  	s29 =	simm.s32 $0x9;
	_ =	strace $0x80000048  }
0xba: {  	_ =	swait.ge [sflag:s29], $0x1  }
0xbb: {  	[sflag:s29] =	ssyncadd.s32 $0xFFFFFFFF  }
0xbc: {  	_ =	strace $0x90000048  }
0xbd: {  	_ =	sfence  }
0xbe: {  	s30 =	sld [smem:$0x0];
	_ =	sdelay $0x2  }
0xbf: {  	s31 =	sshll.u32 s1, $0xD;
	s1 =	sshrl.u32 s1, $0x2  }
0xc0: {  	s3 =	sand.u32 $0x4000, s31;
	s1 =	sadd.s32 s1, s30  }
0xc1: {  	s0 =	sor.u32 s3, s0;
	s1 =	sshll.u32 s1, $0x11  }
0xc2: {  	s0 =	sor.u32 s1, s0  }
0xc3: {  	s0 =	sadd.s32 $0x8F2B, s0  }
0xc4: {  	[sflag:s0] =	ssyncadd.remote.s32 $0x1  }
0xc5: {  	_ =	sfence.sel $0xFFFF  }
0xc6: {  	[dreg:$0x0] =	wrdreg $0xFFFFFFFF;
	(pc) =	sbr.abs _section_cstart, $3  }
0xc7: {  	[dreg:$0x1] =	wrdreg $0xFFFFFFFF  }
0xc8: {  	_ =	task.clear_ibuf [dreg:s8], $0x2FFFF;
	_ =	strace $0x9FFFFFFF  }
0xc9: {  	(tm) =	ssettm $0x7FFFFFFF  }
tec
execute0_lowered:
.L_overlay_start_1:
0x0: {  	(tag) =	ssettag $0x1  }
0x1: {  	s1 =	rddreg [dreg:$0x0]  }
0x2: {  	s4 =	rddreg [dreg:$0x1]  }
0x3: {  	s2 =	srdreg.scid;
	s5 =	rddreg [dreg:$0x2];
	s3 =	simm.s32 $0x0  }
0x4: {  	s0 =	stileid.u32;
	s17 =	simm.s32 $0x80;
	[smem:$0x7FF] =	sst s3  }
0x5: {  	s18 =	simm.s32 $0x100;
	_ =	strace $0x80000047;
	[dreg:$0xc] =	wrdreg s17  }
0x6: {  	s19 =	simm.s32 $0x180;
	s20 =	simm.s32 $0x8A00;
	[dreg:$0xd] =	wrdreg s18  }
0x7: {  	s21 =	simm.s32 $0x9200;
	s22 =	simm.s32 $0x9A00;
	[dreg:$0xe] =	wrdreg s19  }
0x8: {  	s23 =	simm.s32 $0xA200;
	s24 =	simm.s32 $0xAA00;
	[dreg:$0xf] =	wrdreg s20  }
0x9: {  	s28 =	simm.s32 $0x4;
	s29 =	simm.s32 $0x2;
	[dreg:$0x10] =	wrdreg s21  }
0xa: {  	s30 =	simm.s32 $0x3;
	s31 =	simm.s32 $0x5;
	[dreg:$0x11] =	wrdreg s22  }
0xb: {  	s2 =	sand.u32 $0x1, s2;
	s6 =	sshll.u32 s0, $0xA;
	[dreg:$0x12] =	wrdreg s23  }
0xc: {  	s7 =	sshll.u32 s2, $0x9;
	[dreg:$0x13] =	wrdreg s24;
	s17 =	simm.s32 $0x12200  }
0xd: {  	s2 =	ssub.s32 $0x2, s2;
	s18 =	simm.s32 $0x12A00;
	[smem:$0x7F4] =	sst s17  }
0xe: {  	s19 =	simm.s32 $0x13200;
	s20 =	simm.s32 $0x13A00;
	[smem:$0x7F5] =	sst s18  }
0xf: {  	s21 =	simm.s32 $0x14200;
	s22 =	simm.s32 $0x14A00;
	[smem:$0x7F6] =	sst s19  }
0x10: {  	s23 =	simm.s32 $0x15200;
	s24 =	simm.s32 $0x15A00;
	[smem:$0x7F7] =	sst s20  }
0x11: {  	s6 =	sor.u32 s7, s6;
	s17 =	simm.s32 $0x5A00;
	[smem:$0x7F8] =	sst s21  }
0x12: {  	s18 =	simm.s32 $0x6200;
	s19 =	simm.s32 $0x6A00;
	[smem:$0x7F9] =	sst s22  }
0x13: {  	s20 =	simm.s32 $0x7200;
	s21 =	simm.s32 $0x7A00;
	[smem:$0x7FA] =	sst s23  }
0x14: {  	[smem:$0x7FB] =	sst s24;
	s7 =	sshrl.u32 s6, $0x3;
	s8 =	sor.u32 $0x80, s6  }
0x15: {  	s9 =	sor.u32 $0x100, s6;
	s11 =	sor.u32 $0x180, s6;
	s7 =	sadd.s32 s4, s7  }
0x16: {  	s25 =	sshrl.u32 s8, $0x3;
	s10 =	sshrl.u32 s9, $0x3;
	s0 =	sshrl.u32 s11, $0x3  }
0x17: {  	s13 =	sshll.u32 s9, $0x5;
	s9 =	simm.s32 $0xDA00;
	[dreg:$0x4] =	wrdreg s7  }
0x18: {  	s15 =	sshll.u32 s11, $0x5;
	s11 =	simm.s32 $0xEA00;
	[dreg:$0x19] =	wrdreg s9  }
0x19: {  	s22 =	simm.s32 $0x8200;
	s7 =	sadd.s32 s4, s25;
	[dreg:$0x1b] =	wrdreg s11  }
0x1a: {  	s23 =	simm.s32 $0x10200;
	s26 =	sadd.s32 s4, s10;
	[dreg:$0x5] =	wrdreg s7  }
0x1b: {  	s6 =	sshll.u32 s6, $0x5;
	s4 =	sadd.s32 s4, s0;
	[dreg:$0x6] =	wrdreg s26  }
0x1c: {  	s10 =	sshll.u32 s8, $0x5;
	s14 =	sadd.s32 s5, s13;
	[dreg:$0x7] =	wrdreg s4  }
0x1d: {  	s16 =	sadd.s32 s5, s15;
	s25 =	simm.s32 $0xB200;
	[dreg:$0xa] =	wrdreg s14  }
0x1e: {  	s0 =	simm.s32 $0xBA00;
	s8 =	simm.s32 $0xD200;
	[dreg:$0xb] =	wrdreg s16  }
0x1f: {  	s9 =	simm.s32 $0x1A00;
	s13 =	simm.s32 $0xFA00;
	[dreg:$0x14] =	wrdreg s25  }
0x20: {  	s11 =	simm.s32 $0x2A00;
	s15 =	simm.s32 $0x11200;
	[dreg:$0x15] =	wrdreg s0  }
0x21: {  	s7 =	sadd.s32 s5, s6;
	s12 =	sadd.s32 s5, s10;
	[dreg:$0x18] =	wrdreg s8  }
0x22: {  	s26 =	sshrl.u32 s2, $0x1;
	s6 =	simm.s32 $0xC200;
	[dreg:$0x1d] =	wrdreg s13  }
0x23: {  	s5 =	simm.s32 $0x7;
	s10 =	simm.s32 $0xE200;
	[dreg:$0x1f] =	wrdreg s15  }
0x24: {  	s8 =	simm.s32 $0x1200;
	s14 =	simm.s32 $0x10A00;
	[dreg:$0x8] =	wrdreg s7  }
0x25: {  	s13 =	simm.s32 $0x3A00;
	s16 =	simm.s32 $0x11A00;
	[dreg:$0x9] =	wrdreg s12  }
0x26: {  	s15 =	simm.s32 $0x4A00;
	s25 =	simm.s32 $0x16200;
	[dreg:$0x16] =	wrdreg s6  }
0x27: {  	s2 =	ssub.s32 s2, s26;
	s7 =	simm.s32 $0xCA00;
	[dreg:$0x1a] =	wrdreg s10  }
0x28: {  	s6 =	simm.s32 $0x200;
	s12 =	simm.s32 $0xF200;
	[dreg:$0x1e] =	wrdreg s14  }
0x29: {  	s10 =	simm.s32 $0x2200;
	s14 =	simm.s32 $0x4200;
	[smem:$0x7F3] =	sst s16  }
0x2a: {  	s16 =	simm.s32 $0x5200;
	[smem:$0x7FC] =	sst s25;
	s26 =	simm.s32 $0x16A00  }
0x2b: {  	v2 =	vlaneseq.u32;
	s25 =	simm.s32 $0x17A00;
	s4 =	smax.u32 s2, $0x1;
	[dreg:$0x17] =	wrdreg s7  }
0x2c: {  	vm0 =	vmmov $0xffff;
	v1 =	vshrl.u32 v2, $0x3;
	s7 =	simm.s32 $0xA00;
	[dreg:$0x1c] =	wrdreg s12;
	s12 =	simm.s32 $0x3200  }
0x2d: {  	v0 =	vand.u32 $0x7, v2;
	v2 =	vor.u32 $0x8, v2;
	v1 =	vmul.u32 $0x8, v1;
	[smem:$0x7FD] =	sst s26;
	s26 =	simm.s32 $0x1;
	s2 =	simm.s32 $0x6  }
.LBB2_1:
0x2e: {  	s0 =	rddreg [dreg:$0x4]  }
0x2f: {  	[tilespmem:s3], [sflag:$0x7] =	stream.linear.gather [hbm4b:s0+s3], $0x80, $0x38;
	[tilespmem:$0x18200] =	vst v63  }
0x30: {  	_ =	swait.ge [sflag:s5], $0x80  }
0x31: {  	s0 =	rddreg [dreg:$0x5];
	[sflag:s5] =	ssyncset.done $0x0  }
0x32: {  	s24 =	rddreg [dreg:$0xc];
	[sflag:s5] =	ssyncadd.s32 $0xFFFFFF80  }
0x33: {  	[tilespmem:s24], [sflag:$0x7] =	stream.linear.gather [hbm4b:s0+s3], $0x80, $0x38;
	[tilespmem:$0x18200] =	vst v63  }
0x34: {  	_ =	swait.ge [sflag:s5], $0x80  }
0x35: {  	s0 =	rddreg [dreg:$0x6];
	[sflag:s5] =	ssyncset.done $0x0  }
0x36: {  	s24 =	rddreg [dreg:$0xd];
	[sflag:s5] =	ssyncadd.s32 $0xFFFFFF80  }
0x37: {  	[tilespmem:s24], [sflag:$0x7] =	stream.linear.gather [hbm4b:s0+s3], $0x80, $0x38;
	[tilespmem:$0x18200] =	vst v63  }
0x38: {  	_ =	swait.ge [sflag:s5], $0x80  }
0x39: {  	s0 =	rddreg [dreg:$0x7];
	[sflag:s5] =	ssyncset.done $0x0  }
0x3a: {  	s24 =	rddreg [dreg:$0xe];
	[sflag:s5] =	ssyncadd.s32 $0xFFFFFF80  }
0x3b: {  	[tilespmem:s24], [sflag:$0x7] =	stream.linear.gather [hbm4b:s0+s3], $0x80, $0x38;
	[tilespmem:$0x18200] =	vst v63  }
0x3c: {  	_ =	swait.ge [sflag:s5], $0x80  }
0x3d: {  	[sflag:s5] =	ssyncset.done $0x0  }
0x3e: {  	[sflag:s5] =	ssyncadd.s32 $0xFFFFFF80  }
0x3f: {  	v3 =	vld [tilespmem:$0x0];
	_ =	sdelay $0x4  }
0x40: {  	v4 =	vshll.u32 v3, $0x1  }
0x41: {  	v3 =	vand.u32 $0x7, v3;
	v4 =	vand.u32 $0xFFFFFFF0, v4  }
0x42: {  	v3 =	vor.u32 v3, v4  }
0x43: {  	v4 =	vperm.xlane v3, v0;
	_ =	sdelay $0x1  }
0x44: {  	v3 =	vperm.xlane v3, v2;
	v4 =	vadd.s32 v1, v4;
	_ =	sdelay $0x1  }
0x45: {  	v3 =	vadd.s32 v1, v3;
	_ =	sdelay $0x2  }
0x46: {  	[tilespmem:s6], [sflag:$0x1] =	stream.indirect_vreg.gather [hbm4b:s1+s3], $0x80, v4, vm0, $0xb8;
	[tilespmem:$0x18200] =	vst v63  }
0x47: {  	_ = 	snop  }
0x48: {  	[tilespmem:s7], [sflag:$0x1] =	stream.indirect_vreg.gather [hbm4b:s1+s3], $0x80, v3, vm0, $0xb8;
	[tilespmem:$0x18200] =	vst v63  }
0x49: {  	v3 =	vld [tilespmem:$0x10];
	_ =	sdelay $0x4  }
0x4a: {  	v33 =	vshll.u32 v3, $0x1  }
0x4b: {  	v3 =	vand.u32 $0x7, v3;
	v4 =	vand.u32 $0xFFFFFFF0, v33  }
0x4c: {  	v3 =	vor.u32 v3, v4  }
0x4d: {  	v4 =	vperm.xlane v3, v0;
	_ =	sdelay $0x1  }
0x4e: {  	v3 =	vperm.xlane v3, v2;
	v4 =	vadd.s32 v1, v4;
	_ =	sdelay $0x1  }
0x4f: {  	v3 =	vadd.s32 v1, v3;
	_ =	sdelay $0x2  }
0x50: {  	[tilespmem:s8], [sflag:$0x1] =	stream.indirect_vreg.gather [hbm4b:s1+s3], $0x80, v4, vm0, $0xb8;
	[tilespmem:$0x18200] =	vst v63  }
0x51: {  	_ = 	snop  }
0x52: {  	[tilespmem:s9], [sflag:$0x1] =	stream.indirect_vreg.gather [hbm4b:s1+s3], $0x80, v3, vm0, $0xb8;
	[tilespmem:$0x18200] =	vst v63  }
0x53: {  	v3 =	vld [tilespmem:$0x20];
	_ =	sdelay $0x4  }
0x54: {  	v34 =	vshll.u32 v3, $0x1  }
0x55: {  	v3 =	vand.u32 $0x7, v3;
	v4 =	vand.u32 $0xFFFFFFF0, v34  }
0x56: {  	v3 =	vor.u32 v3, v4  }
0x57: {  	v4 =	vperm.xlane v3, v0;
	_ =	sdelay $0x1  }
0x58: {  	v3 =	vperm.xlane v3, v2;
	v4 =	vadd.s32 v1, v4;
	_ =	sdelay $0x1  }
0x59: {  	v3 =	vadd.s32 v1, v3;
	_ =	sdelay $0x2  }
0x5a: {  	[tilespmem:s10], [sflag:$0x1] =	stream.indirect_vreg.gather [hbm4b:s1+s3], $0x80, v4, vm0, $0xb8;
	[tilespmem:$0x18200] =	vst v63  }
0x5b: {  	_ = 	snop  }
0x5c: {  	[tilespmem:s11], [sflag:$0x1] =	stream.indirect_vreg.gather [hbm4b:s1+s3], $0x80, v3, vm0, $0xb8;
	[tilespmem:$0x18200] =	vst v63  }
0x5d: {  	v3 =	vld [tilespmem:$0x30];
	_ =	sdelay $0x4  }
0x5e: {  	v35 =	vshll.u32 v3, $0x1  }
0x5f: {  	v3 =	vand.u32 $0x7, v3;
	v4 =	vand.u32 $0xFFFFFFF0, v35  }
0x60: {  	v3 =	vor.u32 v3, v4  }
0x61: {  	v4 =	vperm.xlane v3, v0;
	_ =	sdelay $0x1  }
0x62: {  	v3 =	vperm.xlane v3, v2;
	v4 =	vadd.s32 v1, v4;
	_ =	sdelay $0x1  }
0x63: {  	v3 =	vadd.s32 v1, v3;
	_ =	sdelay $0x2  }
0x64: {  	[tilespmem:s12], [sflag:$0x1] =	stream.indirect_vreg.gather [hbm4b:s1+s3], $0x80, v4, vm0, $0xb8;
	[tilespmem:$0x18200] =	vst v63  }
0x65: {  	_ = 	snop  }
0x66: {  	[tilespmem:s13], [sflag:$0x1] =	stream.indirect_vreg.gather [hbm4b:s1+s3], $0x80, v3, vm0, $0xb8;
	[tilespmem:$0x18200] =	vst v63  }
0x67: {  	v3 =	vld [tilespmem:$0x40];
	_ =	sdelay $0x4  }
0x68: {  	v36 =	vshll.u32 v3, $0x1  }
0x69: {  	v3 =	vand.u32 $0x7, v3;
	v4 =	vand.u32 $0xFFFFFFF0, v36  }
0x6a: {  	v3 =	vor.u32 v3, v4  }
0x6b: {  	v4 =	vperm.xlane v3, v0;
	_ =	sdelay $0x1  }
0x6c: {  	v3 =	vperm.xlane v3, v2;
	v4 =	vadd.s32 v1, v4;
	_ =	sdelay $0x1  }
0x6d: {  	v3 =	vadd.s32 v1, v3;
	_ =	sdelay $0x2  }
0x6e: {  	[tilespmem:s14], [sflag:$0x1] =	stream.indirect_vreg.gather [hbm4b:s1+s3], $0x80, v4, vm0, $0xb8;
	[tilespmem:$0x18200] =	vst v63  }
0x6f: {  	_ = 	snop  }
0x70: {  	[tilespmem:s15], [sflag:$0x1] =	stream.indirect_vreg.gather [hbm4b:s1+s3], $0x80, v3, vm0, $0xb8;
	[tilespmem:$0x18200] =	vst v63  }
0x71: {  	v3 =	vld [tilespmem:$0x50];
	_ =	sdelay $0x4  }
0x72: {  	v37 =	vshll.u32 v3, $0x1  }
0x73: {  	v3 =	vand.u32 $0x7, v3;
	v4 =	vand.u32 $0xFFFFFFF0, v37  }
0x74: {  	v3 =	vor.u32 v3, v4  }
0x75: {  	v4 =	vperm.xlane v3, v0;
	_ =	sdelay $0x1  }
0x76: {  	v3 =	vperm.xlane v3, v2;
	v4 =	vadd.s32 v1, v4;
	_ =	sdelay $0x1  }
0x77: {  	v3 =	vadd.s32 v1, v3;
	_ =	sdelay $0x2  }
0x78: {  	[tilespmem:s16], [sflag:$0x1] =	stream.indirect_vreg.gather [hbm4b:s1+s3], $0x80, v4, vm0, $0xb8;
	[tilespmem:$0x18200] =	vst v63  }
0x79: {  	_ = 	snop  }
0x7a: {  	[tilespmem:s17], [sflag:$0x1] =	stream.indirect_vreg.gather [hbm4b:s1+s3], $0x80, v3, vm0, $0xb8;
	[tilespmem:$0x18200] =	vst v63  }
0x7b: {  	v3 =	vld [tilespmem:$0x60];
	_ =	sdelay $0x4  }
0x7c: {  	v38 =	vshll.u32 v3, $0x1  }
0x7d: {  	v3 =	vand.u32 $0x7, v3;
	v4 =	vand.u32 $0xFFFFFFF0, v38  }
0x7e: {  	v3 =	vor.u32 v3, v4  }
0x7f: {  	v4 =	vperm.xlane v3, v0;
	_ =	sdelay $0x1  }
0x80: {  	v3 =	vperm.xlane v3, v2;
	v4 =	vadd.s32 v1, v4;
	_ =	sdelay $0x1  }
0x81: {  	v3 =	vadd.s32 v1, v3;
	_ =	sdelay $0x2  }
0x82: {  	[tilespmem:s18], [sflag:$0x1] =	stream.indirect_vreg.gather [hbm4b:s1+s3], $0x80, v4, vm0, $0xb8;
	[tilespmem:$0x18200] =	vst v63  }
0x83: {  	_ = 	snop  }
0x84: {  	[tilespmem:s19], [sflag:$0x1] =	stream.indirect_vreg.gather [hbm4b:s1+s3], $0x80, v3, vm0, $0xb8;
	[tilespmem:$0x18200] =	vst v63  }
0x85: {  	v3 =	vld [tilespmem:$0x70];
	_ =	sdelay $0x4  }
0x86: {  	v39 =	vshll.u32 v3, $0x1  }
0x87: {  	v3 =	vand.u32 $0x7, v3;
	v4 =	vand.u32 $0xFFFFFFF0, v39  }
0x88: {  	v3 =	vor.u32 v3, v4  }
0x89: {  	v4 =	vperm.xlane v3, v0;
	_ =	sdelay $0x1  }
0x8a: {  	v3 =	vperm.xlane v3, v2;
	v4 =	vadd.s32 v1, v4;
	_ =	sdelay $0x1  }
0x8b: {  	v3 =	vadd.s32 v1, v3;
	_ =	sdelay $0x2  }
0x8c: {  	[tilespmem:s20], [sflag:$0x1] =	stream.indirect_vreg.gather [hbm4b:s1+s3], $0x80, v4, vm0, $0xb8;
	[tilespmem:$0x18200] =	vst v63  }
0x8d: {  	_ = 	snop  }
0x8e: {  	[tilespmem:s21], [sflag:$0x1] =	stream.indirect_vreg.gather [hbm4b:s1+s3], $0x80, v3, vm0, $0xb8;
	[tilespmem:$0x18200] =	vst v63  }
0x8f: {  	v3 =	vld [tilespmem:$0x80];
	_ =	sdelay $0x4  }
0x90: {  	v40 =	vshll.u32 v3, $0x1  }
0x91: {  	v3 =	vand.u32 $0x7, v3;
	v4 =	vand.u32 $0xFFFFFFF0, v40  }
0x92: {  	v3 =	vor.u32 v3, v4  }
0x93: {  	v4 =	vperm.xlane v3, v0;
	_ =	sdelay $0x1  }
0x94: {  	v3 =	vperm.xlane v3, v2;
	v4 =	vadd.s32 v1, v4;
	_ =	sdelay $0x1  }
0x95: {  	v3 =	vadd.s32 v1, v3;
	_ =	sdelay $0x2  }
0x96: {  	[tilespmem:s22], [sflag:$0x2] =	stream.indirect_vreg.gather [hbm4b:s1+s3], $0x80, v4, vm0, $0xb8;
	[tilespmem:$0x18200] =	vst v63  }
0x97: {  	s24 =	rddreg [dreg:$0xf]  }
0x98: {  	[tilespmem:s24], [sflag:$0x2] =	stream.indirect_vreg.gather [hbm4b:s1+s3], $0x80, v3, vm0, $0xb8;
	[tilespmem:$0x18200] =	vst v63  }
0x99: {  	v3 =	vld [tilespmem:$0x90];
	_ =	sdelay $0x4  }
0x9a: {  	v41 =	vshll.u32 v3, $0x1  }
0x9b: {  	v3 =	vand.u32 $0x7, v3;
	v4 =	vand.u32 $0xFFFFFFF0, v41  }
0x9c: {  	v3 =	vor.u32 v3, v4  }
0x9d: {  	v4 =	vperm.xlane v3, v0;
	_ =	sdelay $0x1  }
0x9e: {  	v3 =	vperm.xlane v3, v2;
	v4 =	vadd.s32 v1, v4;
	_ =	sdelay $0x1  }
0x9f: {  	v3 =	vadd.s32 v1, v3;
	_ =	sdelay $0x1  }
0xa0: {  	s0 =	rddreg [dreg:$0x10]  }
0xa1: {  	[tilespmem:s0], [sflag:$0x2] =	stream.indirect_vreg.gather [hbm4b:s1+s3], $0x80, v4, vm0, $0xb8;
	[tilespmem:$0x18200] =	vst v63  }
0xa2: {  	s24 =	rddreg [dreg:$0x11]  }
0xa3: {  	[tilespmem:s24], [sflag:$0x2] =	stream.indirect_vreg.gather [hbm4b:s1+s3], $0x80, v3, vm0, $0xb8;
	[tilespmem:$0x18200] =	vst v63  }
0xa4: {  	v3 =	vld [tilespmem:$0xA0];
	_ =	sdelay $0x4  }
0xa5: {  	v42 =	vshll.u32 v3, $0x1  }
0xa6: {  	v3 =	vand.u32 $0x7, v3;
	v4 =	vand.u32 $0xFFFFFFF0, v42  }
0xa7: {  	v3 =	vor.u32 v3, v4  }
0xa8: {  	v4 =	vperm.xlane v3, v0;
	_ =	sdelay $0x1  }
0xa9: {  	v3 =	vperm.xlane v3, v2;
	v4 =	vadd.s32 v1, v4;
	_ =	sdelay $0x1  }
0xaa: {  	v3 =	vadd.s32 v1, v3;
	_ =	sdelay $0x1  }
0xab: {  	s0 =	rddreg [dreg:$0x12]  }
0xac: {  	[tilespmem:s0], [sflag:$0x2] =	stream.indirect_vreg.gather [hbm4b:s1+s3], $0x80, v4, vm0, $0xb8;
	[tilespmem:$0x18200] =	vst v63  }
0xad: {  	s24 =	rddreg [dreg:$0x13]  }
0xae: {  	[tilespmem:s24], [sflag:$0x2] =	stream.indirect_vreg.gather [hbm4b:s1+s3], $0x80, v3, vm0, $0xb8;
	[tilespmem:$0x18200] =	vst v63  }
0xaf: {  	v3 =	vld [tilespmem:$0xB0];
	_ =	sdelay $0x4  }
0xb0: {  	v43 =	vshll.u32 v3, $0x1  }
0xb1: {  	v3 =	vand.u32 $0x7, v3;
	v4 =	vand.u32 $0xFFFFFFF0, v43  }
0xb2: {  	v3 =	vor.u32 v3, v4  }
0xb3: {  	v4 =	vperm.xlane v3, v0;
	_ =	sdelay $0x1  }
0xb4: {  	v3 =	vperm.xlane v3, v2;
	v4 =	vadd.s32 v1, v4;
	_ =	sdelay $0x1  }
0xb5: {  	v3 =	vadd.s32 v1, v3;
	_ =	sdelay $0x1  }
0xb6: {  	s0 =	rddreg [dreg:$0x14]  }
0xb7: {  	[tilespmem:s0], [sflag:$0x2] =	stream.indirect_vreg.gather [hbm4b:s1+s3], $0x80, v4, vm0, $0xb8;
	[tilespmem:$0x18200] =	vst v63  }
0xb8: {  	s24 =	rddreg [dreg:$0x15]  }
0xb9: {  	[tilespmem:s24], [sflag:$0x2] =	stream.indirect_vreg.gather [hbm4b:s1+s3], $0x80, v3, vm0, $0xb8;
	[tilespmem:$0x18200] =	vst v63  }
0xba: {  	v3 =	vld [tilespmem:$0xC0];
	_ =	sdelay $0x4  }
0xbb: {  	v44 =	vshll.u32 v3, $0x1  }
0xbc: {  	v3 =	vand.u32 $0x7, v3;
	v4 =	vand.u32 $0xFFFFFFF0, v44  }
0xbd: {  	v3 =	vor.u32 v3, v4  }
0xbe: {  	v4 =	vperm.xlane v3, v0;
	_ =	sdelay $0x1  }
0xbf: {  	v3 =	vperm.xlane v3, v2;
	v4 =	vadd.s32 v1, v4;
	_ =	sdelay $0x1  }
0xc0: {  	v3 =	vadd.s32 v1, v3;
	_ =	sdelay $0x1  }
0xc1: {  	s0 =	rddreg [dreg:$0x16]  }
0xc2: {  	[tilespmem:s0], [sflag:$0x2] =	stream.indirect_vreg.gather [hbm4b:s1+s3], $0x80, v4, vm0, $0xb8;
	[tilespmem:$0x18200] =	vst v63  }
0xc3: {  	s24 =	rddreg [dreg:$0x17]  }
0xc4: {  	[tilespmem:s24], [sflag:$0x2] =	stream.indirect_vreg.gather [hbm4b:s1+s3], $0x80, v3, vm0, $0xb8;
	[tilespmem:$0x18200] =	vst v63  }
0xc5: {  	v3 =	vld [tilespmem:$0xD0];
	_ =	sdelay $0x4  }
0xc6: {  	v45 =	vshll.u32 v3, $0x1  }
0xc7: {  	v3 =	vand.u32 $0x7, v3;
	v4 =	vand.u32 $0xFFFFFFF0, v45  }
0xc8: {  	v3 =	vor.u32 v3, v4  }
0xc9: {  	v4 =	vperm.xlane v3, v0;
	_ =	sdelay $0x1  }
0xca: {  	v3 =	vperm.xlane v3, v2;
	v4 =	vadd.s32 v1, v4;
	_ =	sdelay $0x1  }
0xcb: {  	v3 =	vadd.s32 v1, v3;
	_ =	sdelay $0x1  }
0xcc: {  	s0 =	rddreg [dreg:$0x18]  }
0xcd: {  	[tilespmem:s0], [sflag:$0x2] =	stream.indirect_vreg.gather [hbm4b:s1+s3], $0x80, v4, vm0, $0xb8;
	[tilespmem:$0x18200] =	vst v63  }
0xce: {  	s24 =	rddreg [dreg:$0x19]  }
0xcf: {  	[tilespmem:s24], [sflag:$0x2] =	stream.indirect_vreg.gather [hbm4b:s1+s3], $0x80, v3, vm0, $0xb8;
	[tilespmem:$0x18200] =	vst v63  }
0xd0: {  	v3 =	vld [tilespmem:$0xE0];
	_ =	sdelay $0x4  }
0xd1: {  	v46 =	vshll.u32 v3, $0x1  }
0xd2: {  	v3 =	vand.u32 $0x7, v3;
	v4 =	vand.u32 $0xFFFFFFF0, v46  }
0xd3: {  	v3 =	vor.u32 v3, v4  }
0xd4: {  	v4 =	vperm.xlane v3, v0;
	_ =	sdelay $0x1  }
0xd5: {  	v3 =	vperm.xlane v3, v2;
	v4 =	vadd.s32 v1, v4;
	_ =	sdelay $0x1  }
0xd6: {  	v3 =	vadd.s32 v1, v3;
	_ =	sdelay $0x1  }
0xd7: {  	s0 =	rddreg [dreg:$0x1a]  }
0xd8: {  	[tilespmem:s0], [sflag:$0x2] =	stream.indirect_vreg.gather [hbm4b:s1+s3], $0x80, v4, vm0, $0xb8;
	[tilespmem:$0x18200] =	vst v63  }
0xd9: {  	s24 =	rddreg [dreg:$0x1b]  }
0xda: {  	[tilespmem:s24], [sflag:$0x2] =	stream.indirect_vreg.gather [hbm4b:s1+s3], $0x80, v3, vm0, $0xb8;
	[tilespmem:$0x18200] =	vst v63  }
0xdb: {  	v3 =	vld [tilespmem:$0xF0];
	_ =	sdelay $0x4  }
0xdc: {  	v47 =	vshll.u32 v3, $0x1  }
0xdd: {  	v3 =	vand.u32 $0x7, v3;
	v4 =	vand.u32 $0xFFFFFFF0, v47  }
0xde: {  	v3 =	vor.u32 v3, v4  }
0xdf: {  	v4 =	vperm.xlane v3, v0;
	_ =	sdelay $0x1  }
0xe0: {  	v3 =	vperm.xlane v3, v2;
	v4 =	vadd.s32 v1, v4;
	_ =	sdelay $0x1  }
0xe1: {  	v3 =	vadd.s32 v1, v3;
	_ =	sdelay $0x1  }
0xe2: {  	s0 =	rddreg [dreg:$0x1c]  }
0xe3: {  	[tilespmem:s0], [sflag:$0x2] =	stream.indirect_vreg.gather [hbm4b:s1+s3], $0x80, v4, vm0, $0xb8;
	[tilespmem:$0x18200] =	vst v63  }
0xe4: {  	s24 =	rddreg [dreg:$0x1d]  }
0xe5: {  	[tilespmem:s24], [sflag:$0x2] =	stream.indirect_vreg.gather [hbm4b:s1+s3], $0x80, v3, vm0, $0xb8;
	[tilespmem:$0x18200] =	vst v63  }
0xe6: {  	v3 =	vld [tilespmem:$0x100];
	_ =	sdelay $0x4  }
0xe7: {  	v48 =	vshll.u32 v3, $0x1  }
0xe8: {  	v3 =	vand.u32 $0x7, v3;
	v4 =	vand.u32 $0xFFFFFFF0, v48  }
0xe9: {  	v3 =	vor.u32 v3, v4  }
0xea: {  	v4 =	vperm.xlane v3, v0;
	_ =	sdelay $0x1  }
0xeb: {  	v3 =	vperm.xlane v3, v2;
	v4 =	vadd.s32 v1, v4;
	_ =	sdelay $0x1  }
0xec: {  	v3 =	vadd.s32 v1, v3;
	_ =	sdelay $0x2  }
0xed: {  	[tilespmem:s23], [sflag:$0x3] =	stream.indirect_vreg.gather [hbm4b:s1+s3], $0x80, v4, vm0, $0xb8;
	[tilespmem:$0x18200] =	vst v63  }
0xee: {  	s24 =	rddreg [dreg:$0x1e]  }
0xef: {  	[tilespmem:s24], [sflag:$0x3] =	stream.indirect_vreg.gather [hbm4b:s1+s3], $0x80, v3, vm0, $0xb8;
	[tilespmem:$0x18200] =	vst v63  }
0xf0: {  	v3 =	vld [tilespmem:$0x110];
	_ =	sdelay $0x4  }
0xf1: {  	v49 =	vshll.u32 v3, $0x1  }
0xf2: {  	v3 =	vand.u32 $0x7, v3;
	v4 =	vand.u32 $0xFFFFFFF0, v49  }
0xf3: {  	v3 =	vor.u32 v3, v4  }
0xf4: {  	v4 =	vperm.xlane v3, v0;
	_ =	sdelay $0x1  }
0xf5: {  	v3 =	vperm.xlane v3, v2;
	v4 =	vadd.s32 v1, v4;
	_ =	sdelay $0x1  }
0xf6: {  	v3 =	vadd.s32 v1, v3  }
0xf7: {  	s0 =	rddreg [dreg:$0x1f]  }
0xf8: {  	s24 =	sld [smem:$0x7F3]  }
0xf9: {  	[tilespmem:s0], [sflag:$0x3] =	stream.indirect_vreg.gather [hbm4b:s1+s3], $0x80, v4, vm0, $0xb8;
	[tilespmem:$0x18200] =	vst v63  }
0xfa: {  	_ = 	snop  }
0xfb: {  	[tilespmem:s24], [sflag:$0x3] =	stream.indirect_vreg.gather [hbm4b:s1+s3], $0x80, v3, vm0, $0xb8;
	[tilespmem:$0x18200] =	vst v63  }
0xfc: {  	v3 =	vld [tilespmem:$0x120];
	_ =	sdelay $0x4  }
0xfd: {  	v50 =	vshll.u32 v3, $0x1  }
0xfe: {  	v3 =	vand.u32 $0x7, v3;
	v4 =	vand.u32 $0xFFFFFFF0, v50  }
0xff: {  	v3 =	vor.u32 v3, v4  }
0x100: {  	v4 =	vperm.xlane v3, v0;
	_ =	sdelay $0x1  }
0x101: {  	v3 =	vperm.xlane v3, v2;
	v4 =	vadd.s32 v1, v4;
	_ =	sdelay $0x1  }
0x102: {  	s0 =	sld [smem:$0x7F4];
	v3 =	vadd.s32 v1, v3;
	_ =	sdelay $0x1  }
0x103: {  	s24 =	sld [smem:$0x7F5]  }
0x104: {  	[tilespmem:s0], [sflag:$0x3] =	stream.indirect_vreg.gather [hbm4b:s1+s3], $0x80, v4, vm0, $0xb8;
	[tilespmem:$0x18200] =	vst v63  }
0x105: {  	_ = 	snop  }
0x106: {  	[tilespmem:s24], [sflag:$0x3] =	stream.indirect_vreg.gather [hbm4b:s1+s3], $0x80, v3, vm0, $0xb8;
	[tilespmem:$0x18200] =	vst v63  }
0x107: {  	v3 =	vld [tilespmem:$0x130];
	_ =	sdelay $0x4  }
0x108: {  	v51 =	vshll.u32 v3, $0x1  }
0x109: {  	v3 =	vand.u32 $0x7, v3;
	v4 =	vand.u32 $0xFFFFFFF0, v51  }
0x10a: {  	v3 =	vor.u32 v3, v4  }
0x10b: {  	v4 =	vperm.xlane v3, v0;
	_ =	sdelay $0x1  }
0x10c: {  	v3 =	vperm.xlane v3, v2;
	v4 =	vadd.s32 v1, v4;
	_ =	sdelay $0x1  }
0x10d: {  	s0 =	sld [smem:$0x7F6];
	v3 =	vadd.s32 v1, v3;
	_ =	sdelay $0x1  }
0x10e: {  	s24 =	sld [smem:$0x7F7]  }
0x10f: {  	[tilespmem:s0], [sflag:$0x3] =	stream.indirect_vreg.gather [hbm4b:s1+s3], $0x80, v4, vm0, $0xb8;
	[tilespmem:$0x18200] =	vst v63  }
0x110: {  	_ = 	snop  }
0x111: {  	[tilespmem:s24], [sflag:$0x3] =	stream.indirect_vreg.gather [hbm4b:s1+s3], $0x80, v3, vm0, $0xb8;
	[tilespmem:$0x18200] =	vst v63  }
0x112: {  	v3 =	vld [tilespmem:$0x140];
	_ =	sdelay $0x4  }
0x113: {  	v52 =	vshll.u32 v3, $0x1  }
0x114: {  	v3 =	vand.u32 $0x7, v3;
	v4 =	vand.u32 $0xFFFFFFF0, v52  }
0x115: {  	v3 =	vor.u32 v3, v4  }
0x116: {  	v4 =	vperm.xlane v3, v0;
	_ =	sdelay $0x1  }
0x117: {  	v3 =	vperm.xlane v3, v2;
	v4 =	vadd.s32 v1, v4;
	_ =	sdelay $0x1  }
0x118: {  	s0 =	sld [smem:$0x7F8];
	v3 =	vadd.s32 v1, v3;
	_ =	sdelay $0x1  }
0x119: {  	s24 =	sld [smem:$0x7F9]  }
0x11a: {  	[tilespmem:s0], [sflag:$0x3] =	stream.indirect_vreg.gather [hbm4b:s1+s3], $0x80, v4, vm0, $0xb8;
	[tilespmem:$0x18200] =	vst v63  }
0x11b: {  	_ = 	snop  }
0x11c: {  	[tilespmem:s24], [sflag:$0x3] =	stream.indirect_vreg.gather [hbm4b:s1+s3], $0x80, v3, vm0, $0xb8;
	[tilespmem:$0x18200] =	vst v63  }
0x11d: {  	v3 =	vld [tilespmem:$0x150];
	_ =	sdelay $0x4  }
0x11e: {  	v53 =	vshll.u32 v3, $0x1  }
0x11f: {  	v3 =	vand.u32 $0x7, v3;
	v4 =	vand.u32 $0xFFFFFFF0, v53  }
0x120: {  	v3 =	vor.u32 v3, v4  }
0x121: {  	v4 =	vperm.xlane v3, v0;
	_ =	sdelay $0x1  }
0x122: {  	v3 =	vperm.xlane v3, v2;
	v4 =	vadd.s32 v1, v4;
	_ =	sdelay $0x1  }
0x123: {  	s0 =	sld [smem:$0x7FA];
	v3 =	vadd.s32 v1, v3;
	_ =	sdelay $0x1  }
0x124: {  	s24 =	sld [smem:$0x7FB]  }
0x125: {  	[tilespmem:s0], [sflag:$0x3] =	stream.indirect_vreg.gather [hbm4b:s1+s3], $0x80, v4, vm0, $0xb8;
	[tilespmem:$0x18200] =	vst v63  }
0x126: {  	_ = 	snop  }
0x127: {  	[tilespmem:s24], [sflag:$0x3] =	stream.indirect_vreg.gather [hbm4b:s1+s3], $0x80, v3, vm0, $0xb8;
	[tilespmem:$0x18200] =	vst v63  }
0x128: {  	v3 =	vld [tilespmem:$0x160];
	_ =	sdelay $0x4  }
0x129: {  	v54 =	vshll.u32 v3, $0x1  }
0x12a: {  	v3 =	vand.u32 $0x7, v3;
	v4 =	vand.u32 $0xFFFFFFF0, v54  }
0x12b: {  	v3 =	vor.u32 v3, v4  }
0x12c: {  	v4 =	vperm.xlane v3, v0;
	_ =	sdelay $0x1  }
0x12d: {  	v3 =	vperm.xlane v3, v2;
	v4 =	vadd.s32 v1, v4;
	_ =	sdelay $0x1  }
0x12e: {  	s0 =	sld [smem:$0x7FC];
	v3 =	vadd.s32 v1, v3;
	_ =	sdelay $0x1  }
0x12f: {  	s24 =	sld [smem:$0x7FD]  }
0x130: {  	[tilespmem:s0], [sflag:$0x3] =	stream.indirect_vreg.gather [hbm4b:s1+s3], $0x80, v4, vm0, $0xb8;
	[tilespmem:$0x18200] =	vst v63  }
0x131: {  	_ = 	snop  }
0x132: {  	[tilespmem:s24], [sflag:$0x3] =	stream.indirect_vreg.gather [hbm4b:s1+s3], $0x80, v3, vm0, $0xb8;
	[tilespmem:$0x18200] =	vst v63  }
0x133: {  	v3 =	vld [tilespmem:$0x170];
	_ =	sdelay $0x4  }
0x134: {  	v55 =	vshll.u32 v3, $0x1  }
0x135: {  	v3 =	vand.u32 $0x7, v3;
	v4 =	vand.u32 $0xFFFFFFF0, v55  }
0x136: {  	v3 =	vor.u32 v3, v4  }
0x137: {  	v4 =	vperm.xlane v3, v0;
	_ =	sdelay $0x1  }
0x138: {  	v3 =	vperm.xlane v3, v2;
	v4 =	vadd.s32 v1, v4;
	_ =	sdelay $0x1  }
0x139: {  	v3 =	vadd.s32 v1, v3;
	_ =	sdelay $0x1  }
0x13a: {  	s24 =	simm.s32 $0x17200  }
0x13b: {  	[tilespmem:s24], [sflag:$0x3] =	stream.indirect_vreg.gather [hbm4b:s1+s3], $0x80, v4, vm0, $0xb8;
	[tilespmem:$0x18200] =	vst v63  }
0x13c: {  	_ = 	snop  }
0x13d: {  	[tilespmem:s25], [sflag:$0x3] =	stream.indirect_vreg.gather [hbm4b:s1+s3], $0x80, v3, vm0, $0xb8;
	[tilespmem:$0x18200] =	vst v63  }
0x13e: {  	_ =	swait.ge [sflag:s26], $0x8000  }
0x13f: {  	[sflag:s26] =	ssyncset.done $0x0  }
0x140: {  	s24 =	rddreg [dreg:$0x8];
	[sflag:s26] =	ssyncadd.s32 $0xFFFF8000  }
0x141: {  	[hbm4b:s24+s3] =	stream.linear.scatter [tilespmem:s6], [sflag:$0x4], $0x8000, $0x38;
	[tilespmem:$0x18200] =	vst v63  }
0x142: {  	_ =	swait.ge [sflag:s28], $0x8000  }
0x143: {  	[sflag:s28] =	ssyncset.done $0x0  }
0x144: {  	[sflag:s28] =	ssyncadd.s32 $0xFFFF8000  }
0x145: {  	v3 =	vld [tilespmem:$0x180];
	_ =	sdelay $0x4  }
0x146: {  	v56 =	vshll.u32 v3, $0x1  }
0x147: {  	v3 =	vand.u32 $0x7, v3;
	v4 =	vand.u32 $0xFFFFFFF0, v56  }
0x148: {  	v3 =	vor.u32 v3, v4  }
0x149: {  	v4 =	vperm.xlane v3, v0;
	_ =	sdelay $0x1  }
0x14a: {  	v3 =	vperm.xlane v3, v2;
	v4 =	vadd.s32 v1, v4;
	_ =	sdelay $0x1  }
0x14b: {  	v3 =	vadd.s32 v1, v3;
	_ =	sdelay $0x2  }
0x14c: {  	[tilespmem:s6], [sflag:$0x1] =	stream.indirect_vreg.gather [hbm4b:s1+s3], $0x80, v4, vm0, $0xb8;
	[tilespmem:$0x18200] =	vst v63  }
0x14d: {  	_ = 	snop  }
0x14e: {  	[tilespmem:s7], [sflag:$0x1] =	stream.indirect_vreg.gather [hbm4b:s1+s3], $0x80, v3, vm0, $0xb8;
	[tilespmem:$0x18200] =	vst v63  }
0x14f: {  	v3 =	vld [tilespmem:$0x190];
	_ =	sdelay $0x4  }
0x150: {  	v57 =	vshll.u32 v3, $0x1  }
0x151: {  	v3 =	vand.u32 $0x7, v3;
	v4 =	vand.u32 $0xFFFFFFF0, v57  }
0x152: {  	v3 =	vor.u32 v3, v4  }
0x153: {  	v4 =	vperm.xlane v3, v0;
	_ =	sdelay $0x1  }
0x154: {  	v3 =	vperm.xlane v3, v2;
	v4 =	vadd.s32 v1, v4;
	_ =	sdelay $0x1  }
0x155: {  	v3 =	vadd.s32 v1, v3;
	_ =	sdelay $0x2  }
0x156: {  	[tilespmem:s8], [sflag:$0x1] =	stream.indirect_vreg.gather [hbm4b:s1+s3], $0x80, v4, vm0, $0xb8;
	[tilespmem:$0x18200] =	vst v63  }
0x157: {  	_ = 	snop  }
0x158: {  	[tilespmem:s9], [sflag:$0x1] =	stream.indirect_vreg.gather [hbm4b:s1+s3], $0x80, v3, vm0, $0xb8;
	[tilespmem:$0x18200] =	vst v63  }
0x159: {  	v3 =	vld [tilespmem:$0x1A0];
	_ =	sdelay $0x4  }
0x15a: {  	v58 =	vshll.u32 v3, $0x1  }
0x15b: {  	v3 =	vand.u32 $0x7, v3;
	v4 =	vand.u32 $0xFFFFFFF0, v58  }
0x15c: {  	v3 =	vor.u32 v3, v4  }
0x15d: {  	v4 =	vperm.xlane v3, v0;
	_ =	sdelay $0x1  }
0x15e: {  	v3 =	vperm.xlane v3, v2;
	v4 =	vadd.s32 v1, v4;
	_ =	sdelay $0x1  }
0x15f: {  	v3 =	vadd.s32 v1, v3;
	_ =	sdelay $0x2  }
0x160: {  	[tilespmem:s10], [sflag:$0x1] =	stream.indirect_vreg.gather [hbm4b:s1+s3], $0x80, v4, vm0, $0xb8;
	[tilespmem:$0x18200] =	vst v63  }
0x161: {  	_ = 	snop  }
0x162: {  	[tilespmem:s11], [sflag:$0x1] =	stream.indirect_vreg.gather [hbm4b:s1+s3], $0x80, v3, vm0, $0xb8;
	[tilespmem:$0x18200] =	vst v63  }
0x163: {  	v3 =	vld [tilespmem:$0x1B0];
	_ =	sdelay $0x4  }
0x164: {  	v59 =	vshll.u32 v3, $0x1  }
0x165: {  	v3 =	vand.u32 $0x7, v3;
	v4 =	vand.u32 $0xFFFFFFF0, v59  }
0x166: {  	v3 =	vor.u32 v3, v4  }
0x167: {  	v4 =	vperm.xlane v3, v0;
	_ =	sdelay $0x1  }
0x168: {  	v3 =	vperm.xlane v3, v2;
	v4 =	vadd.s32 v1, v4;
	_ =	sdelay $0x1  }
0x169: {  	v3 =	vadd.s32 v1, v3;
	_ =	sdelay $0x2  }
0x16a: {  	[tilespmem:s12], [sflag:$0x1] =	stream.indirect_vreg.gather [hbm4b:s1+s3], $0x80, v4, vm0, $0xb8;
	[tilespmem:$0x18200] =	vst v63  }
0x16b: {  	_ = 	snop  }
0x16c: {  	[tilespmem:s13], [sflag:$0x1] =	stream.indirect_vreg.gather [hbm4b:s1+s3], $0x80, v3, vm0, $0xb8;
	[tilespmem:$0x18200] =	vst v63  }
0x16d: {  	v3 =	vld [tilespmem:$0x1C0];
	_ =	sdelay $0x4  }
0x16e: {  	v60 =	vshll.u32 v3, $0x1  }
0x16f: {  	v3 =	vand.u32 $0x7, v3;
	v4 =	vand.u32 $0xFFFFFFF0, v60  }
0x170: {  	v3 =	vor.u32 v3, v4  }
0x171: {  	v4 =	vperm.xlane v3, v0;
	_ =	sdelay $0x1  }
0x172: {  	v3 =	vperm.xlane v3, v2;
	v4 =	vadd.s32 v1, v4;
	_ =	sdelay $0x1  }
0x173: {  	v3 =	vadd.s32 v1, v3;
	_ =	sdelay $0x2  }
0x174: {  	[tilespmem:s14], [sflag:$0x1] =	stream.indirect_vreg.gather [hbm4b:s1+s3], $0x80, v4, vm0, $0xb8;
	[tilespmem:$0x18200] =	vst v63  }
0x175: {  	_ = 	snop  }
0x176: {  	[tilespmem:s15], [sflag:$0x1] =	stream.indirect_vreg.gather [hbm4b:s1+s3], $0x80, v3, vm0, $0xb8;
	[tilespmem:$0x18200] =	vst v63  }
0x177: {  	v3 =	vld [tilespmem:$0x1D0];
	_ =	sdelay $0x4  }
0x178: {  	v61 =	vshll.u32 v3, $0x1  }
0x179: {  	v3 =	vand.u32 $0x7, v3;
	v4 =	vand.u32 $0xFFFFFFF0, v61  }
0x17a: {  	v3 =	vor.u32 v3, v4  }
0x17b: {  	v4 =	vperm.xlane v3, v0;
	_ =	sdelay $0x1  }
0x17c: {  	v3 =	vperm.xlane v3, v2;
	v4 =	vadd.s32 v1, v4;
	_ =	sdelay $0x1  }
0x17d: {  	v3 =	vadd.s32 v1, v3;
	_ =	sdelay $0x2  }
0x17e: {  	[tilespmem:s16], [sflag:$0x1] =	stream.indirect_vreg.gather [hbm4b:s1+s3], $0x80, v4, vm0, $0xb8;
	[tilespmem:$0x18200] =	vst v63  }
0x17f: {  	_ = 	snop  }
0x180: {  	[tilespmem:s17], [sflag:$0x1] =	stream.indirect_vreg.gather [hbm4b:s1+s3], $0x80, v3, vm0, $0xb8;
	[tilespmem:$0x18200] =	vst v63  }
0x181: {  	v3 =	vld [tilespmem:$0x1E0];
	_ =	sdelay $0x4  }
0x182: {  	v62 =	vshll.u32 v3, $0x1  }
0x183: {  	v3 =	vand.u32 $0x7, v3;
	v4 =	vand.u32 $0xFFFFFFF0, v62  }
0x184: {  	v3 =	vor.u32 v3, v4  }
0x185: {  	v4 =	vperm.xlane v3, v0;
	_ =	sdelay $0x1  }
0x186: {  	v3 =	vperm.xlane v3, v2;
	v4 =	vadd.s32 v1, v4;
	_ =	sdelay $0x1  }
0x187: {  	v3 =	vadd.s32 v1, v3;
	_ =	sdelay $0x2  }
0x188: {  	[tilespmem:s18], [sflag:$0x1] =	stream.indirect_vreg.gather [hbm4b:s1+s3], $0x80, v4, vm0, $0xb8;
	[tilespmem:$0x18200] =	vst v63  }
0x189: {  	_ = 	snop  }
0x18a: {  	[tilespmem:s19], [sflag:$0x1] =	stream.indirect_vreg.gather [hbm4b:s1+s3], $0x80, v3, vm0, $0xb8;
	[tilespmem:$0x18200] =	vst v63  }
0x18b: {  	v3 =	vld [tilespmem:$0x1F0];
	_ =	sdelay $0x4  }
0x18c: {  	v63 =	vshll.u32 v3, $0x1  }
0x18d: {  	v3 =	vand.u32 $0x7, v3;
	v4 =	vand.u32 $0xFFFFFFF0, v63  }
0x18e: {  	v3 =	vor.u32 v3, v4  }
0x18f: {  	v4 =	vperm.xlane v3, v0;
	_ =	sdelay $0x1  }
0x190: {  	v3 =	vperm.xlane v3, v2;
	v4 =	vadd.s32 v1, v4;
	_ =	sdelay $0x1  }
0x191: {  	v3 =	vadd.s32 v1, v3;
	_ =	sdelay $0x2  }
0x192: {  	[tilespmem:s20], [sflag:$0x1] =	stream.indirect_vreg.gather [hbm4b:s1+s3], $0x80, v4, vm0, $0xb8;
	[tilespmem:$0x18200] =	vst v63  }
0x193: {  	_ = 	snop  }
0x194: {  	[tilespmem:s21], [sflag:$0x1] =	stream.indirect_vreg.gather [hbm4b:s1+s3], $0x80, v3, vm0, $0xb8;
	[tilespmem:$0x18200] =	vst v63  }
0x195: {  	_ =	swait.ge [sflag:s29], $0x8000  }
0x196: {  	[sflag:s29] =	ssyncset.done $0x0  }
0x197: {  	s24 =	rddreg [dreg:$0x9];
	[sflag:s29] =	ssyncadd.s32 $0xFFFF8000  }
0x198: {  	[hbm4b:s24+s3] =	stream.linear.scatter [tilespmem:s22], [sflag:$0x5], $0x8000, $0x38;
	[tilespmem:$0x18200] =	vst v63  }
0x199: {  	_ =	swait.ge [sflag:s30], $0x8000  }
0x19a: {  	[sflag:s30] =	ssyncset.done $0x0  }
0x19b: {  	s24 =	rddreg [dreg:$0xa];
	[sflag:s30] =	ssyncadd.s32 $0xFFFF8000  }
0x19c: {  	[hbm4b:s24+s3] =	stream.linear.scatter [tilespmem:s23], [sflag:$0x6], $0x8000, $0x38;
	[tilespmem:$0x18200] =	vst v63  }
0x19d: {  	_ =	swait.ge [sflag:s26], $0x8000  }
0x19e: {  	[sflag:s26] =	ssyncset.done $0x0  }
0x19f: {  	s24 =	rddreg [dreg:$0xb];
	[sflag:s26] =	ssyncadd.s32 $0xFFFF8000  }
0x1a0: {  	[hbm4b:s24+s3] =	stream.linear.scatter [tilespmem:s6], [sflag:$0x4], $0x8000, $0x38;
	[tilespmem:$0x18200] =	vst v63  }
0x1a1: {  	_ =	swait.ge [sflag:s31], $0x8000  }
0x1a2: {  	[sflag:s31] =	ssyncset.done $0x0  }
0x1a3: {  	[sflag:s31] =	ssyncadd.s32 $0xFFFF8000  }
0x1a4: {  	p0 =	sne.s32 s4, $0x1;
	_ =	swait.ge [sflag:s2], $0x8000  }
.Ltmp0:
0x1a5: {  	[sflag:s2] =	ssyncset.done $0x0;
	(pc) =	sbr.rel @p0 .LBB2_1-.Ltmp0, $4  }
0x1a6: {  	[sflag:s2] =	ssyncadd.s32 $0xFFFF8000  }
0x1a7: {  	_ =	swait.ge [sflag:s28], $0x8000  }
0x1a8: {  	[sflag:s28] =	ssyncset.done $0x0  }
0x1a9: {  	s4 =	sadd.s32 $0xFFFFFFFF, s4;
	[sflag:s28] =	ssyncadd.s32 $0xFFFF8000  }
0x1aa: {  	_ =	sfence.sel $0x180000  }
0x1ab: {  	[bflag:$0x0] =	sbarrier.arrive $0xFFFF  }
0x1ac: {  	_ =	strace $0x90000047  }
0x1ad: {  	s0 =	stileid.u32;
	[bflag:$0x2] =	sbarrier.arrive $0xFFFF  }
0x1ae: {  	p0 =	sne.s32 s0, $0x0;
	s0 =	rddreg [dreg:$0x3]  }
0x1af: {  	s0 =	sadd.s32 @!p0 $0x100000, s0  }
0x1b0: {  	[sflag:s0] =	ssyncadd.tile.s32 @!p0 $0x1;
	_ =	shalt  }
.Lfunc_end2:
_tile_overlayer_lowered:
.L_overlay_start_2:
0x1b1: {  	(tag) =	ssettag $0x2  }
0x1b2: {  	s0 =	rddreg [dreg:$0x0];
	s2 =	stileid.u32  }
0x1b3: {  	s1 =	rddreg [dreg:$0x1];
	p0 =	sne.s32 s2, $0x0  }
0x1b4: {  	s3 =	rddreg [dreg:$0x2];
	[bflag:$0x3] =	sbarrier.arrive $0xFFFF;
	s2 =	simm.s32 @!p0 $0x1C07  }
0x1b5: {  	[timem:s3], [sflag:s2] =	dma.local @!p0 [hbm:s0], s1  }
0x1b6: {  	s0 =	simm.s32 @!p0 $0x7  }
0x1b7: {  	_ =	swait.ge @!p0 [sflag:s0], s1  }
0x1b8: {  	s1 =	ssub.s32 @!p0 $0x0, s1;
	[sflag:s0] =	ssyncset.done @!p0 $0x0  }
0x1b9: {  	[sflag:s0] =	ssyncadd.s32 @!p0 s1  }
0x1ba: {  	[bflag:$0x3] =	sbarrier.arrive $0xFFFF  }
0x1bb: {  	_ =	shalt  }

</sc_bundles>
